<compile_context>
chip_gen: v7x
topology: tpu7x:2x2x1
jax: 0.10.2.dev20260603
libtpu: 0.0.44.dev20260713+nightly
codegen_flags: <defaults>
</compile_context>

<pallas_src>
import functools
import jax
import jax.numpy as jnp
from jax import lax
from jax.experimental import pallas as pl
from jax.experimental.pallas import tpu as pltpu
from jax.experimental.pallas import tpu_sc as plsc

_QPAD = 5120

_NW = 32
_RW = 2500
_GW = _RW // 16
_WW = _RW * 4



def _sc_boxes(bx_hbm, cls_hbm, ts_hbm, bx_out, cl_out,
              bxv, obv, tsv, clsv, cll):
    wid = lax.axis_index("s") * 2 + lax.axis_index("c")
    iota = lax.iota(jnp.int32, 16)
    base4 = iota * 4

    @pl.when(wid == 0)
    def _():
        pltpu.sync_copy(cls_hbm, clsv)
        m0 = plsc.load_gather(clsv, [iota * 10])
        lab0 = jnp.zeros((16,), jnp.int32)

        def cbody(c, carry):
            m, lab = carry
            v = plsc.load_gather(clsv, [iota * 10 + c])
            upd = v > m
            return jnp.where(upd, v, m), jnp.where(upd, c, lab)

        _, lab = lax.fori_loop(1, 10, cbody, (m0, lab0))
        cll[...] = lab
        pltpu.sync_copy(cll, cl_out)

    pltpu.sync_copy(ts_hbm, tsv)
    pltpu.sync_copy(bx_hbm.at[pl.ds(wid * _WW, _WW)], bxv)

    row_base = wid * _RW

    def group(j, _):
        r0 = jnp.where(j == _GW, _RW - 16, j * 16)
        b4 = base4 + r0 * 4
        row = row_base + r0 + iota
        bidx = (row // 5000) * 2
        shv = plsc.load_gather(tsv, [bidx]).astype(jnp.float32)
        swv = plsc.load_gather(tsv, [bidx + 1]).astype(jnp.float32)
        cx = plsc.load_gather(bxv, [b4])
        cy = plsc.load_gather(bxv, [b4 + 1])
        w = plsc.load_gather(bxv, [b4 + 2])
        h = plsc.load_gather(bxv, [b4 + 3])
        one = jnp.float32(1.0)
        zf = jnp.float32(0.0)
        x0 = jnp.clip(cx - 0.5 * w, zf, one) * swv
        y0 = jnp.clip(cy - 0.5 * h, zf, one) * shv
        x1 = jnp.clip(cx + 0.5 * w, zf, one) * swv
        y1 = jnp.clip(cy + 0.5 * h, zf, one) * shv
        plsc.store_scatter(obv, [b4], x0)
        plsc.store_scatter(obv, [b4 + 1], y0)
        plsc.store_scatter(obv, [b4 + 2], x1)
        plsc.store_scatter(obv, [b4 + 3], y1)
        return 0

    lax.fori_loop(0, _GW + 1, group, 0, unroll=4)
    pltpu.sync_copy(obv, bx_out.at[pl.ds(wid * _WW, _WW)])



def _tc_body(logits_ref, scores_ref, labels_ref):
    nq = logits_ref.shape[1]
    pad = _QPAD - nq
    xt = logits_ref[0].T
    c_iota = jax.lax.broadcasted_iota(jnp.int32, xt.shape, 0)
    m = jnp.max(xt, axis=0)
    labels = jnp.min(jnp.where(xt == m[None, :], c_iota, 91), axis=0)
    s = jnp.sum(jnp.exp(xt), axis=0)
    scores = jnp.exp(m) / s
    scores_ref[0] = jnp.concatenate(
        [scores, jnp.zeros((pad,), jnp.float32)]).reshape(1, _QPAD)
    labels_ref[0] = jnp.concatenate(
        [labels, jnp.zeros((pad,), jnp.int32)]).reshape(1, _QPAD)


def kernel(pred_logits, pred_boxes, cls_logits, target_sizes):
    nb, nq, nc = pred_logits.shape

    scores, labels = pl.pallas_call(
        _tc_body,
        grid=(nb,),
        in_specs=[pl.BlockSpec((1, nq, nc), lambda i: (i, 0, 0))],
        out_specs=[
            pl.BlockSpec((1, 1, _QPAD), lambda i: (i, 0, 0)),
            pl.BlockSpec((1, 1, _QPAD), lambda i: (i, 0, 0)),
        ],
        out_shape=[
            jax.ShapeDtypeStruct((nb, 1, _QPAD), jnp.float32),
            jax.ShapeDtypeStruct((nb, 1, _QPAD), jnp.int32),
        ],
    )(pred_logits)

    mesh = plsc.VectorSubcoreMesh(core_axis_name="c", subcore_axis_name="s")
    sc_fn = functools.partial(
        pl.kernel,
        mesh=mesh,
        compiler_params=pltpu.CompilerParams(needs_layout_passes=False),
        out_type=[
            jax.ShapeDtypeStruct((nb * nq * 4,), jnp.float32),
            jax.ShapeDtypeStruct((nb,), jnp.int32),
        ],
        scratch_types=[
            pltpu.VMEM((_WW,), jnp.float32),
            pltpu.VMEM((_WW,), jnp.float32),
            pltpu.VMEM((32,), jnp.int32),
            pltpu.VMEM((160,), jnp.float32),
            pltpu.VMEM((16,), jnp.int32),
        ],
    )(_sc_boxes)
    boxes, cls2 = sc_fn(pred_boxes.reshape(-1), cls_logits.reshape(-1),
                        target_sizes.reshape(-1))

    return (scores[:, 0, :nq], labels[:, 0, :nq],
            boxes.reshape(nb, nq, 4), cls2)

# --- scband reference (transcript-rebuilt; emitter-appended) ---
"""Pipeline reference for scband-post-process-90933047591168 (READ-ONLY COPY).

The authoritative reference and input builder live on the scoring server;
editing this copy changes nothing except your own understanding.
"""

import jax, jax.numpy as jnp
import numpy as np


def setup_inputs(seed: int = 0) -> dict:
    key = jax.random.key(seed)
    k1, k2, k3, k4 = jax.random.split(key, 4)
    pred_logits = jax.random.normal(k1, (16, 5000, 91), dtype=jnp.float32)
    pred_boxes = jax.random.uniform(k2, (16, 5000, 4), dtype=jnp.float32)
    cls_logits = jax.random.normal(k3, (16, 10), dtype=jnp.float32)
    target_sizes = jax.random.randint(k4, (16, 2), 0, 1333, dtype=jnp.int32)
    return {
        "pred_logits": pred_logits,
        "pred_boxes": pred_boxes,
        "cls_logits": cls_logits,
        "target_sizes": target_sizes,
    }


def _box_cxcywh_to_xyxy(b):
    x_c = b[..., 0:1]
    y_c = b[..., 1:2]
    w = b[..., 2:3]
    h = b[..., 3:4]
    return jnp.concatenate(
        [x_c - 0.5 * w, y_c - 0.5 * h, x_c + 0.5 * w, y_c + 0.5 * h], axis=-1
    )


def reference(pred_logits, pred_boxes, cls_logits, target_sizes):
    # cls_preds = argmax over dim 1 of cls_logits
    cls_preds = jnp.argmax(cls_logits, axis=1)
    # prob = softmax(out_logits, -1); scores, labels = prob.max(-1)
    prob = jax.nn.softmax(pred_logits, axis=-1)
    scores = jnp.max(prob, axis=-1)
    labels = jnp.argmax(prob, axis=-1)
    # boxes = clamp(cxcywh_to_xyxy(out_bbox), 0, 1)
    boxes = _box_cxcywh_to_xyxy(pred_boxes)
    boxes = jnp.clip(boxes, 0.0, 1.0)
    # scale by per-image target sizes
    img_h = target_sizes[:, 0]
    img_w = target_sizes[:, 1]
    scale_fct = jnp.stack([img_w, img_h, img_w, img_h], axis=1).astype(jnp.float32)
    boxes = boxes * scale_fct[:, None, :]
    # results list-of-dicts flattened into a tuple of stacked arrays
    return scores, labels, boxes, cls_preds

if __name__ == "__main__":
    import jax
    _d = setup_inputs()
    print(jax.jit(kernel)(*tuple(_d.values())))

</pallas_src>

<mosaic_0001>
#map = affine_map<(d0, d1) -> (0)>
module attributes {stable_mosaic.version = 14 : i64} {
  func.func @_sc_boxes(%arg0: i32, %arg1: i32, %arg2: memref<320000xf32, #tpu.memory_space<hbm>>, %arg3: memref<160xf32, #tpu.memory_space<hbm>>, %arg4: memref<32xi32, #tpu.memory_space<hbm>>, %arg5: memref<320000xf32, #tpu.memory_space<hbm>>, %arg6: memref<16xi32, #tpu.memory_space<hbm>>, %arg7: memref<10000xf32, #tpu.memory_space<vmem>>, %arg8: memref<10000xf32, #tpu.memory_space<vmem>>, %arg9: memref<32xi32, #tpu.memory_space<vmem>>, %arg10: memref<160xf32, #tpu.memory_space<vmem>>, %arg11: memref<16xi32, #tpu.memory_space<vmem>>) attributes {dimension_semantics = [#tpu.dimension_semantics<core_parallel>, #tpu.dimension_semantics<subcore_parallel>], iteration_bounds = array<i64: 2, 16>, scalar_prefetch = 0 : i64, scratch_operands = 5 : i64, tpu.core_type = #tpu.core_type<sc_vector_subcore>, window_params = [{transform_indices = #map}, {transform_indices = #map}, {transform_indices = #map}, {transform_indices = #map}, {transform_indices = #map}]} {
    %mul3A = arith.constant 2 : i32
    %mul3A_0 = arith.muli %arg1, %mul3A : i32
    %add3A = arith.addi %mul3A_0, %arg0 : i32
    %iota3A = tpu.iota {dimensions = array<i32: 0>} : vector<16xi32>
    %mul3A_1 = arith.constant 4 : i32
    %mul3A_2 = vector.broadcast %mul3A_1 : i32 to vector<16xi32>
    %mul3A_3 = arith.muli %iota3A, %mul3A_2 : vector<16xi32>
    %eq3A = arith.constant 0 : i32
    %eq3A_4 = arith.cmpi eq, %add3A, %eq3A : i32
    %convert_element_type3A = arith.extui %eq3A_4 : i1 to i32
    %cond3A = arith.constant 0 : i32
    %cond3A_5 = arith.cmpi ne, %convert_element_type3A, %cond3A : i32
    scf.if %cond3A_5 {
      "tpu.region"() ({
        %run_scoped3A = tpu.sem_alloc : memref<!tpu.dma_semaphore, #tpu.memory_space<semaphore_mem>>
        tpu.enqueue_dma source(%arg3 : memref<160xf32, #tpu.memory_space<hbm>>) target(%arg10 : memref<160xf32, #tpu.memory_space<vmem>>) target_semaphore(%run_scoped3A : memref<!tpu.dma_semaphore, #tpu.memory_space<semaphore_mem>>)
        tpu.wait_dma2 semaphore(%run_scoped3A : memref<!tpu.dma_semaphore, #tpu.memory_space<semaphore_mem>>) src(%arg3 : memref<160xf32, #tpu.memory_space<hbm>>) dst(%arg10 : memref<160xf32, #tpu.memory_space<vmem>>)
        tpu.yield
      }) : () -> ()
      %mul3A_130 = arith.constant 10 : i32
      %mul3A_131 = vector.broadcast %mul3A_130 : i32 to vector<16xi32>
      %mul3A_132 = arith.muli %iota3A, %mul3A_131 : vector<16xi32>
      %gather3A_133 = tpu.vector_load_idx %arg10[%mul3A_132] : memref<160xf32, #tpu.memory_space<vmem>>[vector<16xi32>], vector<16xf32>,
      %broadcast_in_dim3A = arith.constant 0 : i32
      %broadcast_in_dim3A_134 = vector.broadcast %broadcast_in_dim3A : i32 to vector<16xi32>
      %scan3A_135 = arith.constant 1 : i32
      %scan3A_136 = arith.constant 9 : i32
      %scan3A_137 = arith.addi %scan3A_135, %scan3A_136 : i32
      %scan3A_138 = arith.constant 1 : i32
      %scan3A_139:2 = scf.for %scan3A_142 = %scan3A_135 to %scan3A_137 step %scan3A_138 iter_args(%scan3A_143 = %gather3A_133, %scan3A_144 = %broadcast_in_dim3A_134) -> (vector<16xf32>, vector<16xi32>)  : i32 {
        %mul3A_145 = arith.constant 10 : i32
        %mul3A_146 = vector.broadcast %mul3A_145 : i32 to vector<16xi32>
        %mul3A_147 = arith.muli %iota3A, %mul3A_146 : vector<16xi32>
        %add3A_148 = vector.broadcast %scan3A_142 : i32 to vector<16xi32>
        %add3A_149 = arith.addi %mul3A_147, %add3A_148 : vector<16xi32>
        %gather3A_150 = tpu.vector_load_idx %arg10[%add3A_149] : memref<160xf32, #tpu.memory_space<vmem>>[vector<16xi32>], vector<16xf32>,
        %gt3A = arith.cmpf ogt, %gather3A_150, %scan3A_143 : vector<16xf32>
        %select_n3A_151 = arith.select %gt3A, %gather3A_150, %scan3A_143 : vector<16xi1>, vector<16xf32>
        %broadcast_in_dim3A_152 = vector.broadcast %scan3A_142 : i32 to vector<16xi32>
        %select_n3A_153 = arith.select %gt3A, %broadcast_in_dim3A_152, %scan3A_144 : vector<16xi1>, vector<16xi32>
        scf.yield %select_n3A_151, %select_n3A_153 : vector<16xf32>, vector<16xi32>
      }
      %scan3A_140 = arith.constant 9 : i32
      %swap3A = arith.constant 0 : index
      %swap3A_141 = tpu.vector_load %arg11[%swap3A] {strides = array<i32>} : memref<16xi32, #tpu.memory_space<vmem>>, vector<16xi32>,
      tpu.vector_store %arg11[%swap3A], %scan3A_139#1 {strides = array<i32>} : memref<16xi32, #tpu.memory_space<vmem>>, vector<16xi32>,
      "tpu.region"() ({
        %run_scoped3A = tpu.sem_alloc : memref<!tpu.dma_semaphore, #tpu.memory_space<semaphore_mem>>
        tpu.enqueue_dma source(%arg11 : memref<16xi32, #tpu.memory_space<vmem>>) target(%arg6 : memref<16xi32, #tpu.memory_space<hbm>>) target_semaphore(%run_scoped3A : memref<!tpu.dma_semaphore, #tpu.memory_space<semaphore_mem>>)
        tpu.wait_dma2 semaphore(%run_scoped3A : memref<!tpu.dma_semaphore, #tpu.memory_space<semaphore_mem>>) src(%arg11 : memref<16xi32, #tpu.memory_space<vmem>>) dst(%arg6 : memref<16xi32, #tpu.memory_space<hbm>>)
        tpu.yield
      }) : () -> ()
    } else {
    }
    "tpu.region"() ({
      %run_scoped3A = tpu.sem_alloc : memref<!tpu.dma_semaphore, #tpu.memory_space<semaphore_mem>>
      tpu.enqueue_dma source(%arg4 : memref<32xi32, #tpu.memory_space<hbm>>) target(%arg9 : memref<32xi32, #tpu.memory_space<vmem>>) target_semaphore(%run_scoped3A : memref<!tpu.dma_semaphore, #tpu.memory_space<semaphore_mem>>)
      tpu.wait_dma2 semaphore(%run_scoped3A : memref<!tpu.dma_semaphore, #tpu.memory_space<semaphore_mem>>) src(%arg4 : memref<32xi32, #tpu.memory_space<hbm>>) dst(%arg9 : memref<32xi32, #tpu.memory_space<vmem>>)
      tpu.yield
    }) : () -> ()
    %mul3A_6 = arith.constant 10000 : i32
    %mul3A_7 = arith.muli %add3A, %mul3A_6 : i32
    "tpu.region"() ({
      %run_scoped3A = tpu.sem_alloc : memref<!tpu.dma_semaphore, #tpu.memory_space<semaphore_mem>>
      %dma_start3A = tpu.memref_slice %arg2[%mul3A_7] : memref<320000xf32, #tpu.memory_space<hbm>> -> memref<10000xf32, #tpu.memory_space<hbm>>
      %dma_start3A_130 = tpu.memref_slice %arg2[%mul3A_7] : memref<320000xf32, #tpu.memory_space<hbm>> -> memref<10000xf32, #tpu.memory_space<hbm>>
      tpu.enqueue_dma source(%dma_start3A_130 : memref<10000xf32, #tpu.memory_space<hbm>>) target(%arg7 : memref<10000xf32, #tpu.memory_space<vmem>>) target_semaphore(%run_scoped3A : memref<!tpu.dma_semaphore, #tpu.memory_space<semaphore_mem>>)
      %dma_wait3A = tpu.memref_slice %arg2[%mul3A_7] : memref<320000xf32, #tpu.memory_space<hbm>> -> memref<10000xf32, #tpu.memory_space<hbm>>
      %dma_wait3A_131 = tpu.memref_slice %arg2[%mul3A_7] : memref<320000xf32, #tpu.memory_space<hbm>> -> memref<10000xf32, #tpu.memory_space<hbm>>
      tpu.wait_dma2 semaphore(%run_scoped3A : memref<!tpu.dma_semaphore, #tpu.memory_space<semaphore_mem>>) src(%dma_wait3A_131 : memref<10000xf32, #tpu.memory_space<hbm>>) dst(%arg7 : memref<10000xf32, #tpu.memory_space<vmem>>)
      tpu.yield
    }) : () -> ()
    %mul3A_8 = arith.constant 2500 : i32
    %mul3A_9 = arith.muli %add3A, %mul3A_8 : i32
    %scan3A = arith.constant 0 : i32
    %scan3A_10 = arith.constant 0 : i32
    %scan3A_11 = arith.constant 156 : i32
    %scan3A_12 = arith.addi %scan3A_10, %scan3A_11 : i32
    %scan3A_13 = arith.constant 4 : i32
    %scan3A_14 = scf.for %scan3A_130 = %scan3A_10 to %scan3A_12 step %scan3A_13 iter_args(%scan3A_131 = %scan3A) -> (i32)  : i32 {
      %eq3A_132 = arith.constant 156 : i32
      %eq3A_133 = arith.cmpi eq, %scan3A_130, %eq3A_132 : i32
      %mul3A_134 = arith.constant 16 : i32
      %mul3A_135 = arith.muli %scan3A_130, %mul3A_134 : i32
      %jit3A_136 = arith.constant 2484 : i32
      %select_n3A_137 = arith.select %eq3A_133, %jit3A_136, %mul3A_135 : i32
      %mul3A_138 = arith.constant 4 : i32
      %mul3A_139 = arith.muli %select_n3A_137, %mul3A_138 : i32
      %add3A_140 = vector.broadcast %mul3A_139 : i32 to vector<16xi32>
      %add3A_141 = arith.addi %mul3A_3, %add3A_140 : vector<16xi32>
      %add3A_142 = arith.addi %mul3A_9, %select_n3A_137 : i32
      %add3A_143 = vector.broadcast %add3A_142 : i32 to vector<16xi32>
      %add3A_144 = arith.addi %add3A_143, %iota3A : vector<16xi32>
      %jit3A_145 = arith.constant 5000 : i32
      %div3A_146 = vector.broadcast %jit3A_145 : i32 to vector<16xi32>
      %div3A_147 = arith.divsi %add3A_144, %div3A_146 : vector<16xi32>
      %sign3A_148 = arith.constant 0 : i32
      %sign3A_149 = vector.broadcast %sign3A_148 : i32 to vector<16xi32>
      %sign3A_150 = arith.cmpi sgt, %add3A_144, %sign3A_149 : vector<16xi32>
      %sign3A_151 = arith.extui %sign3A_150 : vector<16xi1> to vector<16xi32>
      %sign3A_152 = arith.constant 0 : i32
      %sign3A_153 = vector.broadcast %sign3A_152 : i32 to vector<16xi32>
      %sign3A_154 = arith.cmpi slt, %add3A_144, %sign3A_153 : vector<16xi32>
      %sign3A_155 = arith.extui %sign3A_154 : vector<16xi1> to vector<16xi32>
      %sign3A_156 = arith.subi %sign3A_151, %sign3A_155 : vector<16xi32>
      %sign3A_157 = arith.constant 0 : i32
      %sign3A_158 = arith.cmpi sgt, %jit3A_145, %sign3A_157 : i32
      %sign3A_159 = arith.extui %sign3A_158 : i1 to i32
      %sign3A_160 = arith.constant 0 : i32
      %sign3A_161 = arith.cmpi slt, %jit3A_145, %sign3A_160 : i32
      %sign3A_162 = arith.extui %sign3A_161 : i1 to i32
      %sign3A_163 = arith.subi %sign3A_159, %sign3A_162 : i32
      %ne3A_164 = vector.broadcast %sign3A_163 : i32 to vector<16xi32>
      %ne3A_165 = arith.cmpi ne, %sign3A_156, %ne3A_164 : vector<16xi32>
      %rem3A_166 = vector.broadcast %jit3A_145 : i32 to vector<16xi32>
      %rem3A_167 = arith.remsi %add3A_144, %rem3A_166 : vector<16xi32>
      %ne3A_168 = arith.constant 0 : i32
      %ne3A_169 = vector.broadcast %ne3A_168 : i32 to vector<16xi32>
      %ne3A_170 = arith.cmpi ne, %rem3A_167, %ne3A_169 : vector<16xi32>
      %and3A_171 = arith.andi %ne3A_165, %ne3A_170 : vector<16xi1>
      %sub3A_172 = arith.constant 1 : i32
      %sub3A_173 = vector.broadcast %sub3A_172 : i32 to vector<16xi32>
      %sub3A_174 = arith.subi %div3A_147, %sub3A_173 : vector<16xi32>
      %select_n3A_175 = arith.select %and3A_171, %sub3A_174, %div3A_147 : vector<16xi1>, vector<16xi32>
      %mul3A_176 = arith.constant 2 : i32
      %mul3A_177 = vector.broadcast %mul3A_176 : i32 to vector<16xi32>
      %mul3A_178 = arith.muli %select_n3A_175, %mul3A_177 : vector<16xi32>
      %gather3A_179 = tpu.vector_load_idx %arg9[%mul3A_178] : memref<32xi32, #tpu.memory_space<vmem>>[vector<16xi32>], vector<16xi32>,
      %convert_element_type3A_180 = arith.sitofp %gather3A_179 : vector<16xi32> to vector<16xf32>
      %add3A_181 = arith.constant 1 : i32
      %add3A_182 = vector.broadcast %add3A_181 : i32 to vector<16xi32>
      %add3A_183 = arith.addi %mul3A_178, %add3A_182 : vector<16xi32>
      %gather3A_184 = tpu.vector_load_idx %arg9[%add3A_183] : memref<32xi32, #tpu.memory_space<vmem>>[vector<16xi32>], vector<16xi32>,
      %convert_element_type3A_185 = arith.sitofp %gather3A_184 : vector<16xi32> to vector<16xf32>
      %gather3A_186 = tpu.vector_load_idx %arg7[%add3A_141] : memref<10000xf32, #tpu.memory_space<vmem>>[vector<16xi32>], vector<16xf32>,
      %add3A_187 = arith.constant 1 : i32
      %add3A_188 = vector.broadcast %add3A_187 : i32 to vector<16xi32>
      %add3A_189 = arith.addi %add3A_141, %add3A_188 : vector<16xi32>
      %gather3A_190 = tpu.vector_load_idx %arg7[%add3A_189] : memref<10000xf32, #tpu.memory_space<vmem>>[vector<16xi32>], vector<16xf32>,
      %add3A_191 = arith.constant 2 : i32
      %add3A_192 = vector.broadcast %add3A_191 : i32 to vector<16xi32>
      %add3A_193 = arith.addi %add3A_141, %add3A_192 : vector<16xi32>
      %gather3A_194 = tpu.vector_load_idx %arg7[%add3A_193] : memref<10000xf32, #tpu.memory_space<vmem>>[vector<16xi32>], vector<16xf32>,
      %add3A_195 = arith.constant 3 : i32
      %add3A_196 = vector.broadcast %add3A_195 : i32 to vector<16xi32>
      %add3A_197 = arith.addi %add3A_141, %add3A_196 : vector<16xi32>
      %gather3A_198 = tpu.vector_load_idx %arg7[%add3A_197] : memref<10000xf32, #tpu.memory_space<vmem>>[vector<16xi32>], vector<16xf32>,
      %mul3A_199 = arith.constant 5.000000e-01 : f32
      %mul3A_200 = vector.broadcast %mul3A_199 : f32 to vector<16xf32>
      %mul3A_201 = arith.mulf %mul3A_200, %gather3A_194 : vector<16xf32>
      %sub3A_202 = arith.subf %gather3A_186, %mul3A_201 : vector<16xf32>
      %jit3A_203 = arith.constant 0.000000e+00 : f32
      %jit3A_204 = arith.constant 1.000000e+00 : f32
      %max3A_205 = vector.broadcast %jit3A_203 : f32 to vector<16xf32>
      %max3A_206 = arith.maximumf %max3A_205, %sub3A_202 : vector<16xf32>
      %min3A_207 = vector.broadcast %jit3A_204 : f32 to vector<16xf32>
      %min3A_208 = arith.minimumf %min3A_207, %max3A_206 : vector<16xf32>
      %mul3A_209 = arith.mulf %min3A_208, %convert_element_type3A_185 : vector<16xf32>
      %mul3A_210 = arith.constant 5.000000e-01 : f32
      %mul3A_211 = vector.broadcast %mul3A_210 : f32 to vector<16xf32>
      %mul3A_212 = arith.mulf %mul3A_211, %gather3A_198 : vector<16xf32>
      %sub3A_213 = arith.subf %gather3A_190, %mul3A_212 : vector<16xf32>
      %jit3A_214 = arith.constant 0.000000e+00 : f32
      %jit3A_215 = arith.constant 1.000000e+00 : f32
      %max3A_216 = vector.broadcast %jit3A_214 : f32 to vector<16xf32>
      %max3A_217 = arith.maximumf %max3A_216, %sub3A_213 : vector<16xf32>
      %min3A_218 = vector.broadcast %jit3A_215 : f32 to vector<16xf32>
      %min3A_219 = arith.minimumf %min3A_218, %max3A_217 : vector<16xf32>
      %mul3A_220 = arith.mulf %min3A_219, %convert_element_type3A_180 : vector<16xf32>
      %mul3A_221 = arith.constant 5.000000e-01 : f32
      %mul3A_222 = vector.broadcast %mul3A_221 : f32 to vector<16xf32>
      %mul3A_223 = arith.mulf %mul3A_222, %gather3A_194 : vector<16xf32>
      %add3A_224 = arith.addf %gather3A_186, %mul3A_223 : vector<16xf32>
      %jit3A_225 = arith.constant 0.000000e+00 : f32
      %jit3A_226 = arith.constant 1.000000e+00 : f32
      %max3A_227 = vector.broadcast %jit3A_225 : f32 to vector<16xf32>
      %max3A_228 = arith.maximumf %max3A_227, %add3A_224 : vector<16xf32>
      %min3A_229 = vector.broadcast %jit3A_226 : f32 to vector<16xf32>
      %min3A_230 = arith.minimumf %min3A_229, %max3A_228 : vector<16xf32>
      %mul3A_231 = arith.mulf %min3A_230, %convert_element_type3A_185 : vector<16xf32>
      %mul3A_232 = arith.constant 5.000000e-01 : f32
      %mul3A_233 = vector.broadcast %mul3A_232 : f32 to vector<16xf32>
      %mul3A_234 = arith.mulf %mul3A_233, %gather3A_198 : vector<16xf32>
      %add3A_235 = arith.addf %gather3A_190, %mul3A_234 : vector<16xf32>
      %jit3A_236 = arith.constant 0.000000e+00 : f32
      %jit3A_237 = arith.constant 1.000000e+00 : f32
      %max3A_238 = vector.broadcast %jit3A_236 : f32 to vector<16xf32>
      %max3A_239 = arith.maximumf %max3A_238, %add3A_235 : vector<16xf32>
      %min3A_240 = vector.broadcast %jit3A_237 : f32 to vector<16xf32>
      %min3A_241 = arith.minimumf %min3A_240, %max3A_239 : vector<16xf32>
      %mul3A_242 = arith.mulf %min3A_241, %convert_element_type3A_180 : vector<16xf32>
      tpu.vector_store_idx %arg8[%add3A_141], %mul3A_209 : memref<10000xf32, #tpu.memory_space<vmem>>[vector<16xi32>], vector<16xf32>,
      %add3A_243 = arith.constant 1 : i32
      %add3A_244 = vector.broadcast %add3A_243 : i32 to vector<16xi32>
      %add3A_245 = arith.addi %add3A_141, %add3A_244 : vector<16xi32>
      tpu.vector_store_idx %arg8[%add3A_245], %mul3A_220 : memref<10000xf32, #tpu.memory_space<vmem>>[vector<16xi32>], vector<16xf32>,
      %add3A_246 = arith.constant 2 : i32
      %add3A_247 = vector.broadcast %add3A_246 : i32 to vector<16xi32>
      %add3A_248 = arith.addi %add3A_141, %add3A_247 : vector<16xi32>
      tpu.vector_store_idx %arg8[%add3A_248], %mul3A_231 : memref<10000xf32, #tpu.memory_space<vmem>>[vector<16xi32>], vector<16xf32>,
      %add3A_249 = arith.constant 3 : i32
      %add3A_250 = vector.broadcast %add3A_249 : i32 to vector<16xi32>
      %add3A_251 = arith.addi %add3A_141, %add3A_250 : vector<16xi32>
      tpu.vector_store_idx %arg8[%add3A_251], %mul3A_242 : memref<10000xf32, #tpu.memory_space<vmem>>[vector<16xi32>], vector<16xf32>,
      %scan3A_252 = arith.constant 0 : i32
      %scan3A_253 = arith.constant 1 : i32
      %scan3A_254 = arith.addi %scan3A_130, %scan3A_253 : i32
      %eq3A_255 = arith.constant 156 : i32
      %eq3A_256 = arith.cmpi eq, %scan3A_254, %eq3A_255 : i32
      %mul3A_257 = arith.constant 16 : i32
      %mul3A_258 = arith.muli %scan3A_254, %mul3A_257 : i32
      %jit3A_259 = arith.constant 2484 : i32
      %select_n3A_260 = arith.select %eq3A_256, %jit3A_259, %mul3A_258 : i32
      %mul3A_261 = arith.constant 4 : i32
      %mul3A_262 = arith.muli %select_n3A_260, %mul3A_261 : i32
      %add3A_263 = vector.broadcast %mul3A_262 : i32 to vector<16xi32>
      %add3A_264 = arith.addi %mul3A_3, %add3A_263 : vector<16xi32>
      %add3A_265 = arith.addi %mul3A_9, %select_n3A_260 : i32
      %add3A_266 = vector.broadcast %add3A_265 : i32 to vector<16xi32>
      %add3A_267 = arith.addi %add3A_266, %iota3A : vector<16xi32>
      %jit3A_268 = arith.constant 5000 : i32
      %div3A_269 = vector.broadcast %jit3A_268 : i32 to vector<16xi32>
      %div3A_270 = arith.divsi %add3A_267, %div3A_269 : vector<16xi32>
      %sign3A_271 = arith.constant 0 : i32
      %sign3A_272 = vector.broadcast %sign3A_271 : i32 to vector<16xi32>
      %sign3A_273 = arith.cmpi sgt, %add3A_267, %sign3A_272 : vector<16xi32>
      %sign3A_274 = arith.extui %sign3A_273 : vector<16xi1> to vector<16xi32>
      %sign3A_275 = arith.constant 0 : i32
      %sign3A_276 = vector.broadcast %sign3A_275 : i32 to vector<16xi32>
      %sign3A_277 = arith.cmpi slt, %add3A_267, %sign3A_276 : vector<16xi32>
      %sign3A_278 = arith.extui %sign3A_277 : vector<16xi1> to vector<16xi32>
      %sign3A_279 = arith.subi %sign3A_274, %sign3A_278 : vector<16xi32>
      %sign3A_280 = arith.constant 0 : i32
      %sign3A_281 = arith.cmpi sgt, %jit3A_268, %sign3A_280 : i32
      %sign3A_282 = arith.extui %sign3A_281 : i1 to i32
      %sign3A_283 = arith.constant 0 : i32
      %sign3A_284 = arith.cmpi slt, %jit3A_268, %sign3A_283 : i32
      %sign3A_285 = arith.extui %sign3A_284 : i1 to i32
      %sign3A_286 = arith.subi %sign3A_282, %sign3A_285 : i32
      %ne3A_287 = vector.broadcast %sign3A_286 : i32 to vector<16xi32>
      %ne3A_288 = arith.cmpi ne, %sign3A_279, %ne3A_287 : vector<16xi32>
      %rem3A_289 = vector.broadcast %jit3A_268 : i32 to vector<16xi32>
      %rem3A_290 = arith.remsi %add3A_267, %rem3A_289 : vector<16xi32>
      %ne3A_291 = arith.constant 0 : i32
      %ne3A_292 = vector.broadcast %ne3A_291 : i32 to vector<16xi32>
      %ne3A_293 = arith.cmpi ne, %rem3A_290, %ne3A_292 : vector<16xi32>
      %and3A_294 = arith.andi %ne3A_288, %ne3A_293 : vector<16xi1>
      %sub3A_295 = arith.constant 1 : i32
      %sub3A_296 = vector.broadcast %sub3A_295 : i32 to vector<16xi32>
      %sub3A_297 = arith.subi %div3A_270, %sub3A_296 : vector<16xi32>
      %select_n3A_298 = arith.select %and3A_294, %sub3A_297, %div3A_270 : vector<16xi1>, vector<16xi32>
      %mul3A_299 = arith.constant 2 : i32
      %mul3A_300 = vector.broadcast %mul3A_299 : i32 to vector<16xi32>
      %mul3A_301 = arith.muli %select_n3A_298, %mul3A_300 : vector<16xi32>
      %gather3A_302 = tpu.vector_load_idx %arg9[%mul3A_301] : memref<32xi32, #tpu.memory_space<vmem>>[vector<16xi32>], vector<16xi32>,
      %convert_element_type3A_303 = arith.sitofp %gather3A_302 : vector<16xi32> to vector<16xf32>
      %add3A_304 = arith.constant 1 : i32
      %add3A_305 = vector.broadcast %add3A_304 : i32 to vector<16xi32>
      %add3A_306 = arith.addi %mul3A_301, %add3A_305 : vector<16xi32>
      %gather3A_307 = tpu.vector_load_idx %arg9[%add3A_306] : memref<32xi32, #tpu.memory_space<vmem>>[vector<16xi32>], vector<16xi32>,
      %convert_element_type3A_308 = arith.sitofp %gather3A_307 : vector<16xi32> to vector<16xf32>
      %gather3A_309 = tpu.vector_load_idx %arg7[%add3A_264] : memref<10000xf32, #tpu.memory_space<vmem>>[vector<16xi32>], vector<16xf32>,
      %add3A_310 = arith.constant 1 : i32
      %add3A_311 = vector.broadcast %add3A_310 : i32 to vector<16xi32>
      %add3A_312 = arith.addi %add3A_264, %add3A_311 : vector<16xi32>
      %gather3A_313 = tpu.vector_load_idx %arg7[%add3A_312] : memref<10000xf32, #tpu.memory_space<vmem>>[vector<16xi32>], vector<16xf32>,
      %add3A_314 = arith.constant 2 : i32
      %add3A_315 = vector.broadcast %add3A_314 : i32 to vector<16xi32>
      %add3A_316 = arith.addi %add3A_264, %add3A_315 : vector<16xi32>
      %gather3A_317 = tpu.vector_load_idx %arg7[%add3A_316] : memref<10000xf32, #tpu.memory_space<vmem>>[vector<16xi32>], vector<16xf32>,
      %add3A_318 = arith.constant 3 : i32
      %add3A_319 = vector.broadcast %add3A_318 : i32 to vector<16xi32>
      %add3A_320 = arith.addi %add3A_264, %add3A_319 : vector<16xi32>
      %gather3A_321 = tpu.vector_load_idx %arg7[%add3A_320] : memref<10000xf32, #tpu.memory_space<vmem>>[vector<16xi32>], vector<16xf32>,
      %mul3A_322 = arith.constant 5.000000e-01 : f32
      %mul3A_323 = vector.broadcast %mul3A_322 : f32 to vector<16xf32>
      %mul3A_324 = arith.mulf %mul3A_323, %gather3A_317 : vector<16xf32>
      %sub3A_325 = arith.subf %gather3A_309, %mul3A_324 : vector<16xf32>
      %jit3A_326 = arith.constant 0.000000e+00 : f32
      %jit3A_327 = arith.constant 1.000000e+00 : f32
      %max3A_328 = vector.broadcast %jit3A_326 : f32 to vector<16xf32>
      %max3A_329 = arith.maximumf %max3A_328, %sub3A_325 : vector<16xf32>
      %min3A_330 = vector.broadcast %jit3A_327 : f32 to vector<16xf32>
      %min3A_331 = arith.minimumf %min3A_330, %max3A_329 : vector<16xf32>
      %mul3A_332 = arith.mulf %min3A_331, %convert_element_type3A_308 : vector<16xf32>
      %mul3A_333 = arith.constant 5.000000e-01 : f32
      %mul3A_334 = vector.broadcast %mul3A_333 : f32 to vector<16xf32>
      %mul3A_335 = arith.mulf %mul3A_334, %gather3A_321 : vector<16xf32>
      %sub3A_336 = arith.subf %gather3A_313, %mul3A_335 : vector<16xf32>
      %jit3A_337 = arith.constant 0.000000e+00 : f32
      %jit3A_338 = arith.constant 1.000000e+00 : f32
      %max3A_339 = vector.broadcast %jit3A_337 : f32 to vector<16xf32>
      %max3A_340 = arith.maximumf %max3A_339, %sub3A_336 : vector<16xf32>
      %min3A_341 = vector.broadcast %jit3A_338 : f32 to vector<16xf32>
      %min3A_342 = arith.minimumf %min3A_341, %max3A_340 : vector<16xf32>
      %mul3A_343 = arith.mulf %min3A_342, %convert_element_type3A_303 : vector<16xf32>
      %mul3A_344 = arith.constant 5.000000e-01 : f32
      %mul3A_345 = vector.broadcast %mul3A_344 : f32 to vector<16xf32>
      %mul3A_346 = arith.mulf %mul3A_345, %gather3A_317 : vector<16xf32>
      %add3A_347 = arith.addf %gather3A_309, %mul3A_346 : vector<16xf32>
      %jit3A_348 = arith.constant 0.000000e+00 : f32
      %jit3A_349 = arith.constant 1.000000e+00 : f32
      %max3A_350 = vector.broadcast %jit3A_348 : f32 to vector<16xf32>
      %max3A_351 = arith.maximumf %max3A_350, %add3A_347 : vector<16xf32>
      %min3A_352 = vector.broadcast %jit3A_349 : f32 to vector<16xf32>
      %min3A_353 = arith.minimumf %min3A_352, %max3A_351 : vector<16xf32>
      %mul3A_354 = arith.mulf %min3A_353, %convert_element_type3A_308 : vector<16xf32>
      %mul3A_355 = arith.constant 5.000000e-01 : f32
      %mul3A_356 = vector.broadcast %mul3A_355 : f32 to vector<16xf32>
      %mul3A_357 = arith.mulf %mul3A_356, %gather3A_321 : vector<16xf32>
      %add3A_358 = arith.addf %gather3A_313, %mul3A_357 : vector<16xf32>
      %jit3A_359 = arith.constant 0.000000e+00 : f32
      %jit3A_360 = arith.constant 1.000000e+00 : f32
      %max3A_361 = vector.broadcast %jit3A_359 : f32 to vector<16xf32>
      %max3A_362 = arith.maximumf %max3A_361, %add3A_358 : vector<16xf32>
      %min3A_363 = vector.broadcast %jit3A_360 : f32 to vector<16xf32>
      %min3A_364 = arith.minimumf %min3A_363, %max3A_362 : vector<16xf32>
      %mul3A_365 = arith.mulf %min3A_364, %convert_element_type3A_303 : vector<16xf32>
      tpu.vector_store_idx %arg8[%add3A_264], %mul3A_332 : memref<10000xf32, #tpu.memory_space<vmem>>[vector<16xi32>], vector<16xf32>,
      %add3A_366 = arith.constant 1 : i32
      %add3A_367 = vector.broadcast %add3A_366 : i32 to vector<16xi32>
      %add3A_368 = arith.addi %add3A_264, %add3A_367 : vector<16xi32>
      tpu.vector_store_idx %arg8[%add3A_368], %mul3A_343 : memref<10000xf32, #tpu.memory_space<vmem>>[vector<16xi32>], vector<16xf32>,
      %add3A_369 = arith.constant 2 : i32
      %add3A_370 = vector.broadcast %add3A_369 : i32 to vector<16xi32>
      %add3A_371 = arith.addi %add3A_264, %add3A_370 : vector<16xi32>
      tpu.vector_store_idx %arg8[%add3A_371], %mul3A_354 : memref<10000xf32, #tpu.memory_space<vmem>>[vector<16xi32>], vector<16xf32>,
      %add3A_372 = arith.constant 3 : i32
      %add3A_373 = vector.broadcast %add3A_372 : i32 to vector<16xi32>
      %add3A_374 = arith.addi %add3A_264, %add3A_373 : vector<16xi32>
      tpu.vector_store_idx %arg8[%add3A_374], %mul3A_365 : memref<10000xf32, #tpu.memory_space<vmem>>[vector<16xi32>], vector<16xf32>,
      %scan3A_375 = arith.constant 0 : i32
      %scan3A_376 = arith.constant 2 : i32
      %scan3A_377 = arith.addi %scan3A_130, %scan3A_376 : i32
      %eq3A_378 = arith.constant 156 : i32
      %eq3A_379 = arith.cmpi eq, %scan3A_377, %eq3A_378 : i32
      %mul3A_380 = arith.constant 16 : i32
      %mul3A_381 = arith.muli %scan3A_377, %mul3A_380 : i32
      %jit3A_382 = arith.constant 2484 : i32
      %select_n3A_383 = arith.select %eq3A_379, %jit3A_382, %mul3A_381 : i32
      %mul3A_384 = arith.constant 4 : i32
      %mul3A_385 = arith.muli %select_n3A_383, %mul3A_384 : i32
      %add3A_386 = vector.broadcast %mul3A_385 : i32 to vector<16xi32>
      %add3A_387 = arith.addi %mul3A_3, %add3A_386 : vector<16xi32>
      %add3A_388 = arith.addi %mul3A_9, %select_n3A_383 : i32
      %add3A_389 = vector.broadcast %add3A_388 : i32 to vector<16xi32>
      %add3A_390 = arith.addi %add3A_389, %iota3A : vector<16xi32>
      %jit3A_391 = arith.constant 5000 : i32
      %div3A_392 = vector.broadcast %jit3A_391 : i32 to vector<16xi32>
      %div3A_393 = arith.divsi %add3A_390, %div3A_392 : vector<16xi32>
      %sign3A_394 = arith.constant 0 : i32
      %sign3A_395 = vector.broadcast %sign3A_394 : i32 to vector<16xi32>
      %sign3A_396 = arith.cmpi sgt, %add3A_390, %sign3A_395 : vector<16xi32>
      %sign3A_397 = arith.extui %sign3A_396 : vector<16xi1> to vector<16xi32>
      %sign3A_398 = arith.constant 0 : i32
      %sign3A_399 = vector.broadcast %sign3A_398 : i32 to vector<16xi32>
      %sign3A_400 = arith.cmpi slt, %add3A_390, %sign3A_399 : vector<16xi32>
      %sign3A_401 = arith.extui %sign3A_400 : vector<16xi1> to vector<16xi32>
      %sign3A_402 = arith.subi %sign3A_397, %sign3A_401 : vector<16xi32>
      %sign3A_403 = arith.constant 0 : i32
      %sign3A_404 = arith.cmpi sgt, %jit3A_391, %sign3A_403 : i32
      %sign3A_405 = arith.extui %sign3A_404 : i1 to i32
      %sign3A_406 = arith.constant 0 : i32
      %sign3A_407 = arith.cmpi slt, %jit3A_391, %sign3A_406 : i32
      %sign3A_408 = arith.extui %sign3A_407 : i1 to i32
      %sign3A_409 = arith.subi %sign3A_405, %sign3A_408 : i32
      %ne3A_410 = vector.broadcast %sign3A_409 : i32 to vector<16xi32>
      %ne3A_411 = arith.cmpi ne, %sign3A_402, %ne3A_410 : vector<16xi32>
      %rem3A_412 = vector.broadcast %jit3A_391 : i32 to vector<16xi32>
      %rem3A_413 = arith.remsi %add3A_390, %rem3A_412 : vector<16xi32>
      %ne3A_414 = arith.constant 0 : i32
      %ne3A_415 = vector.broadcast %ne3A_414 : i32 to vector<16xi32>
      %ne3A_416 = arith.cmpi ne, %rem3A_413, %ne3A_415 : vector<16xi32>
      %and3A_417 = arith.andi %ne3A_411, %ne3A_416 : vector<16xi1>
      %sub3A_418 = arith.constant 1 : i32
      %sub3A_419 = vector.broadcast %sub3A_418 : i32 to vector<16xi32>
      %sub3A_420 = arith.subi %div3A_393, %sub3A_419 : vector<16xi32>
      %select_n3A_421 = arith.select %and3A_417, %sub3A_420, %div3A_393 : vector<16xi1>, vector<16xi32>
      %mul3A_422 = arith.constant 2 : i32
      %mul3A_423 = vector.broadcast %mul3A_422 : i32 to vector<16xi32>
      %mul3A_424 = arith.muli %select_n3A_421, %mul3A_423 : vector<16xi32>
      %gather3A_425 = tpu.vector_load_idx %arg9[%mul3A_424] : memref<32xi32, #tpu.memory_space<vmem>>[vector<16xi32>], vector<16xi32>,
      %convert_element_type3A_426 = arith.sitofp %gather3A_425 : vector<16xi32> to vector<16xf32>
      %add3A_427 = arith.constant 1 : i32
      %add3A_428 = vector.broadcast %add3A_427 : i32 to vector<16xi32>
      %add3A_429 = arith.addi %mul3A_424, %add3A_428 : vector<16xi32>
      %gather3A_430 = tpu.vector_load_idx %arg9[%add3A_429] : memref<32xi32, #tpu.memory_space<vmem>>[vector<16xi32>], vector<16xi32>,
      %convert_element_type3A_431 = arith.sitofp %gather3A_430 : vector<16xi32> to vector<16xf32>
      %gather3A_432 = tpu.vector_load_idx %arg7[%add3A_387] : memref<10000xf32, #tpu.memory_space<vmem>>[vector<16xi32>], vector<16xf32>,
      %add3A_433 = arith.constant 1 : i32
      %add3A_434 = vector.broadcast %add3A_433 : i32 to vector<16xi32>
      %add3A_435 = arith.addi %add3A_387, %add3A_434 : vector<16xi32>
      %gather3A_436 = tpu.vector_load_idx %arg7[%add3A_435] : memref<10000xf32, #tpu.memory_space<vmem>>[vector<16xi32>], vector<16xf32>,
      %add3A_437 = arith.constant 2 : i32
      %add3A_438 = vector.broadcast %add3A_437 : i32 to vector<16xi32>
      %add3A_439 = arith.addi %add3A_387, %add3A_438 : vector<16xi32>
      %gather3A_440 = tpu.vector_load_idx %arg7[%add3A_439] : memref<10000xf32, #tpu.memory_space<vmem>>[vector<16xi32>], vector<16xf32>,
      %add3A_441 = arith.constant 3 : i32
      %add3A_442 = vector.broadcast %add3A_441 : i32 to vector<16xi32>
      %add3A_443 = arith.addi %add3A_387, %add3A_442 : vector<16xi32>
      %gather3A_444 = tpu.vector_load_idx %arg7[%add3A_443] : memref<10000xf32, #tpu.memory_space<vmem>>[vector<16xi32>], vector<16xf32>,
      %mul3A_445 = arith.constant 5.000000e-01 : f32
      %mul3A_446 = vector.broadcast %mul3A_445 : f32 to vector<16xf32>
      %mul3A_447 = arith.mulf %mul3A_446, %gather3A_440 : vector<16xf32>
      %sub3A_448 = arith.subf %gather3A_432, %mul3A_447 : vector<16xf32>
      %jit3A_449 = arith.constant 0.000000e+00 : f32
      %jit3A_450 = arith.constant 1.000000e+00 : f32
      %max3A_451 = vector.broadcast %jit3A_449 : f32 to vector<16xf32>
      %max3A_452 = arith.maximumf %max3A_451, %sub3A_448 : vector<16xf32>
      %min3A_453 = vector.broadcast %jit3A_450 : f32 to vector<16xf32>
      %min3A_454 = arith.minimumf %min3A_453, %max3A_452 : vector<16xf32>
      %mul3A_455 = arith.mulf %min3A_454, %convert_element_type3A_431 : vector<16xf32>
      %mul3A_456 = arith.constant 5.000000e-01 : f32
      %mul3A_457 = vector.broadcast %mul3A_456 : f32 to vector<16xf32>
      %mul3A_458 = arith.mulf %mul3A_457, %gather3A_444 : vector<16xf32>
      %sub3A_459 = arith.subf %gather3A_436, %mul3A_458 : vector<16xf32>
      %jit3A_460 = arith.constant 0.000000e+00 : f32
      %jit3A_461 = arith.constant 1.000000e+00 : f32
      %max3A_462 = vector.broadcast %jit3A_460 : f32 to vector<16xf32>
      %max3A_463 = arith.maximumf %max3A_462, %sub3A_459 : vector<16xf32>
      %min3A_464 = vector.broadcast %jit3A_461 : f32 to vector<16xf32>
      %min3A_465 = arith.minimumf %min3A_464, %max3A_463 : vector<16xf32>
      %mul3A_466 = arith.mulf %min3A_465, %convert_element_type3A_426 : vector<16xf32>
      %mul3A_467 = arith.constant 5.000000e-01 : f32
      %mul3A_468 = vector.broadcast %mul3A_467 : f32 to vector<16xf32>
      %mul3A_469 = arith.mulf %mul3A_468, %gather3A_440 : vector<16xf32>
      %add3A_470 = arith.addf %gather3A_432, %mul3A_469 : vector<16xf32>
      %jit3A_471 = arith.constant 0.000000e+00 : f32
      %jit3A_472 = arith.constant 1.000000e+00 : f32
      %max3A_473 = vector.broadcast %jit3A_471 : f32 to vector<16xf32>
      %max3A_474 = arith.maximumf %max3A_473, %add3A_470 : vector<16xf32>
      %min3A_475 = vector.broadcast %jit3A_472 : f32 to vector<16xf32>
      %min3A_476 = arith.minimumf %min3A_475, %max3A_474 : vector<16xf32>
      %mul3A_477 = arith.mulf %min3A_476, %convert_element_type3A_431 : vector<16xf32>
      %mul3A_478 = arith.constant 5.000000e-01 : f32
      %mul3A_479 = vector.broadcast %mul3A_478 : f32 to vector<16xf32>
      %mul3A_480 = arith.mulf %mul3A_479, %gather3A_444 : vector<16xf32>
      %add3A_481 = arith.addf %gather3A_436, %mul3A_480 : vector<16xf32>
      %jit3A_482 = arith.constant 0.000000e+00 : f32
      %jit3A_483 = arith.constant 1.000000e+00 : f32
      %max3A_484 = vector.broadcast %jit3A_482 : f32 to vector<16xf32>
      %max3A_485 = arith.maximumf %max3A_484, %add3A_481 : vector<16xf32>
      %min3A_486 = vector.broadcast %jit3A_483 : f32 to vector<16xf32>
      %min3A_487 = arith.minimumf %min3A_486, %max3A_485 : vector<16xf32>
      %mul3A_488 = arith.mulf %min3A_487, %convert_element_type3A_426 : vector<16xf32>
      tpu.vector_store_idx %arg8[%add3A_387], %mul3A_455 : memref<10000xf32, #tpu.memory_space<vmem>>[vector<16xi32>], vector<16xf32>,
      %add3A_489 = arith.constant 1 : i32
      %add3A_490 = vector.broadcast %add3A_489 : i32 to vector<16xi32>
      %add3A_491 = arith.addi %add3A_387, %add3A_490 : vector<16xi32>
      tpu.vector_store_idx %arg8[%add3A_491], %mul3A_466 : memref<10000xf32, #tpu.memory_space<vmem>>[vector<16xi32>], vector<16xf32>,
      %add3A_492 = arith.constant 2 : i32
      %add3A_493 = vector.broadcast %add3A_492 : i32 to vector<16xi32>
      %add3A_494 = arith.addi %add3A_387, %add3A_493 : vector<16xi32>
      tpu.vector_store_idx %arg8[%add3A_494], %mul3A_477 : memref<10000xf32, #tpu.memory_space<vmem>>[vector<16xi32>], vector<16xf32>,
      %add3A_495 = arith.constant 3 : i32
      %add3A_496 = vector.broadcast %add3A_495 : i32 to vector<16xi32>
      %add3A_497 = arith.addi %add3A_387, %add3A_496 : vector<16xi32>
      tpu.vector_store_idx %arg8[%add3A_497], %mul3A_488 : memref<10000xf32, #tpu.memory_space<vmem>>[vector<16xi32>], vector<16xf32>,
      %scan3A_498 = arith.constant 0 : i32
      %scan3A_499 = arith.constant 3 : i32
      %scan3A_500 = arith.addi %scan3A_130, %scan3A_499 : i32
      %eq3A_501 = arith.constant 156 : i32
      %eq3A_502 = arith.cmpi eq, %scan3A_500, %eq3A_501 : i32
      %mul3A_503 = arith.constant 16 : i32
      %mul3A_504 = arith.muli %scan3A_500, %mul3A_503 : i32
      %jit3A_505 = arith.constant 2484 : i32
      %select_n3A_506 = arith.select %eq3A_502, %jit3A_505, %mul3A_504 : i32
      %mul3A_507 = arith.constant 4 : i32
      %mul3A_508 = arith.muli %select_n3A_506, %mul3A_507 : i32
      %add3A_509 = vector.broadcast %mul3A_508 : i32 to vector<16xi32>
      %add3A_510 = arith.addi %mul3A_3, %add3A_509 : vector<16xi32>
      %add3A_511 = arith.addi %mul3A_9, %select_n3A_506 : i32
      %add3A_512 = vector.broadcast %add3A_511 : i32 to vector<16xi32>
      %add3A_513 = arith.addi %add3A_512, %iota3A : vector<16xi32>
      %jit3A_514 = arith.constant 5000 : i32
      %div3A_515 = vector.broadcast %jit3A_514 : i32 to vector<16xi32>
      %div3A_516 = arith.divsi %add3A_513, %div3A_515 : vector<16xi32>
      %sign3A_517 = arith.constant 0 : i32
      %sign3A_518 = vector.broadcast %sign3A_517 : i32 to vector<16xi32>
      %sign3A_519 = arith.cmpi sgt, %add3A_513, %sign3A_518 : vector<16xi32>
      %sign3A_520 = arith.extui %sign3A_519 : vector<16xi1> to vector<16xi32>
      %sign3A_521 = arith.constant 0 : i32
      %sign3A_522 = vector.broadcast %sign3A_521 : i32 to vector<16xi32>
      %sign3A_523 = arith.cmpi slt, %add3A_513, %sign3A_522 : vector<16xi32>
      %sign3A_524 = arith.extui %sign3A_523 : vector<16xi1> to vector<16xi32>
      %sign3A_525 = arith.subi %sign3A_520, %sign3A_524 : vector<16xi32>
      %sign3A_526 = arith.constant 0 : i32
      %sign3A_527 = arith.cmpi sgt, %jit3A_514, %sign3A_526 : i32
      %sign3A_528 = arith.extui %sign3A_527 : i1 to i32
      %sign3A_529 = arith.constant 0 : i32
      %sign3A_530 = arith.cmpi slt, %jit3A_514, %sign3A_529 : i32
      %sign3A_531 = arith.extui %sign3A_530 : i1 to i32
      %sign3A_532 = arith.subi %sign3A_528, %sign3A_531 : i32
      %ne3A_533 = vector.broadcast %sign3A_532 : i32 to vector<16xi32>
      %ne3A_534 = arith.cmpi ne, %sign3A_525, %ne3A_533 : vector<16xi32>
      %rem3A_535 = vector.broadcast %jit3A_514 : i32 to vector<16xi32>
      %rem3A_536 = arith.remsi %add3A_513, %rem3A_535 : vector<16xi32>
      %ne3A_537 = arith.constant 0 : i32
      %ne3A_538 = vector.broadcast %ne3A_537 : i32 to vector<16xi32>
      %ne3A_539 = arith.cmpi ne, %rem3A_536, %ne3A_538 : vector<16xi32>
      %and3A_540 = arith.andi %ne3A_534, %ne3A_539 : vector<16xi1>
      %sub3A_541 = arith.constant 1 : i32
      %sub3A_542 = vector.broadcast %sub3A_541 : i32 to vector<16xi32>
      %sub3A_543 = arith.subi %div3A_516, %sub3A_542 : vector<16xi32>
      %select_n3A_544 = arith.select %and3A_540, %sub3A_543, %div3A_516 : vector<16xi1>, vector<16xi32>
      %mul3A_545 = arith.constant 2 : i32
      %mul3A_546 = vector.broadcast %mul3A_545 : i32 to vector<16xi32>
      %mul3A_547 = arith.muli %select_n3A_544, %mul3A_546 : vector<16xi32>
      %gather3A_548 = tpu.vector_load_idx %arg9[%mul3A_547] : memref<32xi32, #tpu.memory_space<vmem>>[vector<16xi32>], vector<16xi32>,
      %convert_element_type3A_549 = arith.sitofp %gather3A_548 : vector<16xi32> to vector<16xf32>
      %add3A_550 = arith.constant 1 : i32
      %add3A_551 = vector.broadcast %add3A_550 : i32 to vector<16xi32>
      %add3A_552 = arith.addi %mul3A_547, %add3A_551 : vector<16xi32>
      %gather3A_553 = tpu.vector_load_idx %arg9[%add3A_552] : memref<32xi32, #tpu.memory_space<vmem>>[vector<16xi32>], vector<16xi32>,
      %convert_element_type3A_554 = arith.sitofp %gather3A_553 : vector<16xi32> to vector<16xf32>
      %gather3A_555 = tpu.vector_load_idx %arg7[%add3A_510] : memref<10000xf32, #tpu.memory_space<vmem>>[vector<16xi32>], vector<16xf32>,
      %add3A_556 = arith.constant 1 : i32
      %add3A_557 = vector.broadcast %add3A_556 : i32 to vector<16xi32>
      %add3A_558 = arith.addi %add3A_510, %add3A_557 : vector<16xi32>
      %gather3A_559 = tpu.vector_load_idx %arg7[%add3A_558] : memref<10000xf32, #tpu.memory_space<vmem>>[vector<16xi32>], vector<16xf32>,
      %add3A_560 = arith.constant 2 : i32
      %add3A_561 = vector.broadcast %add3A_560 : i32 to vector<16xi32>
      %add3A_562 = arith.addi %add3A_510, %add3A_561 : vector<16xi32>
      %gather3A_563 = tpu.vector_load_idx %arg7[%add3A_562] : memref<10000xf32, #tpu.memory_space<vmem>>[vector<16xi32>], vector<16xf32>,
      %add3A_564 = arith.constant 3 : i32
      %add3A_565 = vector.broadcast %add3A_564 : i32 to vector<16xi32>
      %add3A_566 = arith.addi %add3A_510, %add3A_565 : vector<16xi32>
      %gather3A_567 = tpu.vector_load_idx %arg7[%add3A_566] : memref<10000xf32, #tpu.memory_space<vmem>>[vector<16xi32>], vector<16xf32>,
      %mul3A_568 = arith.constant 5.000000e-01 : f32
      %mul3A_569 = vector.broadcast %mul3A_568 : f32 to vector<16xf32>
      %mul3A_570 = arith.mulf %mul3A_569, %gather3A_563 : vector<16xf32>
      %sub3A_571 = arith.subf %gather3A_555, %mul3A_570 : vector<16xf32>
      %jit3A_572 = arith.constant 0.000000e+00 : f32
      %jit3A_573 = arith.constant 1.000000e+00 : f32
      %max3A_574 = vector.broadcast %jit3A_572 : f32 to vector<16xf32>
      %max3A_575 = arith.maximumf %max3A_574, %sub3A_571 : vector<16xf32>
      %min3A_576 = vector.broadcast %jit3A_573 : f32 to vector<16xf32>
      %min3A_577 = arith.minimumf %min3A_576, %max3A_575 : vector<16xf32>
      %mul3A_578 = arith.mulf %min3A_577, %convert_element_type3A_554 : vector<16xf32>
      %mul3A_579 = arith.constant 5.000000e-01 : f32
      %mul3A_580 = vector.broadcast %mul3A_579 : f32 to vector<16xf32>
      %mul3A_581 = arith.mulf %mul3A_580, %gather3A_567 : vector<16xf32>
      %sub3A_582 = arith.subf %gather3A_559, %mul3A_581 : vector<16xf32>
      %jit3A_583 = arith.constant 0.000000e+00 : f32
      %jit3A_584 = arith.constant 1.000000e+00 : f32
      %max3A_585 = vector.broadcast %jit3A_583 : f32 to vector<16xf32>
      %max3A_586 = arith.maximumf %max3A_585, %sub3A_582 : vector<16xf32>
      %min3A_587 = vector.broadcast %jit3A_584 : f32 to vector<16xf32>
      %min3A_588 = arith.minimumf %min3A_587, %max3A_586 : vector<16xf32>
      %mul3A_589 = arith.mulf %min3A_588, %convert_element_type3A_549 : vector<16xf32>
      %mul3A_590 = arith.constant 5.000000e-01 : f32
      %mul3A_591 = vector.broadcast %mul3A_590 : f32 to vector<16xf32>
      %mul3A_592 = arith.mulf %mul3A_591, %gather3A_563 : vector<16xf32>
      %add3A_593 = arith.addf %gather3A_555, %mul3A_592 : vector<16xf32>
      %jit3A_594 = arith.constant 0.000000e+00 : f32
      %jit3A_595 = arith.constant 1.000000e+00 : f32
      %max3A_596 = vector.broadcast %jit3A_594 : f32 to vector<16xf32>
      %max3A_597 = arith.maximumf %max3A_596, %add3A_593 : vector<16xf32>
      %min3A_598 = vector.broadcast %jit3A_595 : f32 to vector<16xf32>
      %min3A_599 = arith.minimumf %min3A_598, %max3A_597 : vector<16xf32>
      %mul3A_600 = arith.mulf %min3A_599, %convert_element_type3A_554 : vector<16xf32>
      %mul3A_601 = arith.constant 5.000000e-01 : f32
      %mul3A_602 = vector.broadcast %mul3A_601 : f32 to vector<16xf32>
      %mul3A_603 = arith.mulf %mul3A_602, %gather3A_567 : vector<16xf32>
      %add3A_604 = arith.addf %gather3A_559, %mul3A_603 : vector<16xf32>
      %jit3A_605 = arith.constant 0.000000e+00 : f32
      %jit3A_606 = arith.constant 1.000000e+00 : f32
      %max3A_607 = vector.broadcast %jit3A_605 : f32 to vector<16xf32>
      %max3A_608 = arith.maximumf %max3A_607, %add3A_604 : vector<16xf32>
      %min3A_609 = vector.broadcast %jit3A_606 : f32 to vector<16xf32>
      %min3A_610 = arith.minimumf %min3A_609, %max3A_608 : vector<16xf32>
      %mul3A_611 = arith.mulf %min3A_610, %convert_element_type3A_549 : vector<16xf32>
      tpu.vector_store_idx %arg8[%add3A_510], %mul3A_578 : memref<10000xf32, #tpu.memory_space<vmem>>[vector<16xi32>], vector<16xf32>,
      %add3A_612 = arith.constant 1 : i32
      %add3A_613 = vector.broadcast %add3A_612 : i32 to vector<16xi32>
      %add3A_614 = arith.addi %add3A_510, %add3A_613 : vector<16xi32>
      tpu.vector_store_idx %arg8[%add3A_614], %mul3A_589 : memref<10000xf32, #tpu.memory_space<vmem>>[vector<16xi32>], vector<16xf32>,
      %add3A_615 = arith.constant 2 : i32
      %add3A_616 = vector.broadcast %add3A_615 : i32 to vector<16xi32>
      %add3A_617 = arith.addi %add3A_510, %add3A_616 : vector<16xi32>
      tpu.vector_store_idx %arg8[%add3A_617], %mul3A_600 : memref<10000xf32, #tpu.memory_space<vmem>>[vector<16xi32>], vector<16xf32>,
      %add3A_618 = arith.constant 3 : i32
      %add3A_619 = vector.broadcast %add3A_618 : i32 to vector<16xi32>
      %add3A_620 = arith.addi %add3A_510, %add3A_619 : vector<16xi32>
      tpu.vector_store_idx %arg8[%add3A_620], %mul3A_611 : memref<10000xf32, #tpu.memory_space<vmem>>[vector<16xi32>], vector<16xf32>,
      %scan3A_621 = arith.constant 0 : i32
      scf.yield %scan3A_621 : i32
    }
    %scan3A_15 = arith.constant 156 : i32
    %scan3A_16 = arith.addi %scan3A_10, %scan3A_15 : i32
    %eq3A_17 = arith.constant 156 : i32
    %eq3A_18 = arith.cmpi eq, %scan3A_16, %eq3A_17 : i32
    %mul3A_19 = arith.constant 16 : i32
    %mul3A_20 = arith.muli %scan3A_16, %mul3A_19 : i32
    %jit3A = arith.constant 2484 : i32
    %select_n3A = arith.select %eq3A_18, %jit3A, %mul3A_20 : i32
    %mul3A_21 = arith.constant 4 : i32
    %mul3A_22 = arith.muli %select_n3A, %mul3A_21 : i32
    %add3A_23 = vector.broadcast %mul3A_22 : i32 to vector<16xi32>
    %add3A_24 = arith.addi %mul3A_3, %add3A_23 : vector<16xi32>
    %add3A_25 = arith.addi %mul3A_9, %select_n3A : i32
    %add3A_26 = vector.broadcast %add3A_25 : i32 to vector<16xi32>
    %add3A_27 = arith.addi %add3A_26, %iota3A : vector<16xi32>
    %jit3A_28 = arith.constant 5000 : i32
    %div3A = vector.broadcast %jit3A_28 : i32 to vector<16xi32>
    %div3A_29 = arith.divsi %add3A_27, %div3A : vector<16xi32>
    %sign3A = arith.constant 0 : i32
    %sign3A_30 = vector.broadcast %sign3A : i32 to vector<16xi32>
    %sign3A_31 = arith.cmpi sgt, %add3A_27, %sign3A_30 : vector<16xi32>
    %sign3A_32 = arith.extui %sign3A_31 : vector<16xi1> to vector<16xi32>
    %sign3A_33 = arith.constant 0 : i32
    %sign3A_34 = vector.broadcast %sign3A_33 : i32 to vector<16xi32>
    %sign3A_35 = arith.cmpi slt, %add3A_27, %sign3A_34 : vector<16xi32>
    %sign3A_36 = arith.extui %sign3A_35 : vector<16xi1> to vector<16xi32>
    %sign3A_37 = arith.subi %sign3A_32, %sign3A_36 : vector<16xi32>
    %sign3A_38 = arith.constant 0 : i32
    %sign3A_39 = arith.cmpi sgt, %jit3A_28, %sign3A_38 : i32
    %sign3A_40 = arith.extui %sign3A_39 : i1 to i32
    %sign3A_41 = arith.constant 0 : i32
    %sign3A_42 = arith.cmpi slt, %jit3A_28, %sign3A_41 : i32
    %sign3A_43 = arith.extui %sign3A_42 : i1 to i32
    %sign3A_44 = arith.subi %sign3A_40, %sign3A_43 : i32
    %ne3A = vector.broadcast %sign3A_44 : i32 to vector<16xi32>
    %ne3A_45 = arith.cmpi ne, %sign3A_37, %ne3A : vector<16xi32>
    %rem3A = vector.broadcast %jit3A_28 : i32 to vector<16xi32>
    %rem3A_46 = arith.remsi %add3A_27, %rem3A : vector<16xi32>
    %ne3A_47 = arith.constant 0 : i32
    %ne3A_48 = vector.broadcast %ne3A_47 : i32 to vector<16xi32>
    %ne3A_49 = arith.cmpi ne, %rem3A_46, %ne3A_48 : vector<16xi32>
    %and3A = arith.andi %ne3A_45, %ne3A_49 : vector<16xi1>
    %sub3A = arith.constant 1 : i32
    %sub3A_50 = vector.broadcast %sub3A : i32 to vector<16xi32>
    %sub3A_51 = arith.subi %div3A_29, %sub3A_50 : vector<16xi32>
    %select_n3A_52 = arith.select %and3A, %sub3A_51, %div3A_29 : vector<16xi1>, vector<16xi32>
    %mul3A_53 = arith.constant 2 : i32
    %mul3A_54 = vector.broadcast %mul3A_53 : i32 to vector<16xi32>
    %mul3A_55 = arith.muli %select_n3A_52, %mul3A_54 : vector<16xi32>
    %gather3A = tpu.vector_load_idx %arg9[%mul3A_55] : memref<32xi32, #tpu.memory_space<vmem>>[vector<16xi32>], vector<16xi32>,
    %convert_element_type3A_56 = arith.sitofp %gather3A : vector<16xi32> to vector<16xf32>
    %add3A_57 = arith.constant 1 : i32
    %add3A_58 = vector.broadcast %add3A_57 : i32 to vector<16xi32>
    %add3A_59 = arith.addi %mul3A_55, %add3A_58 : vector<16xi32>
    %gather3A_60 = tpu.vector_load_idx %arg9[%add3A_59] : memref<32xi32, #tpu.memory_space<vmem>>[vector<16xi32>], vector<16xi32>,
    %convert_element_type3A_61 = arith.sitofp %gather3A_60 : vector<16xi32> to vector<16xf32>
    %gather3A_62 = tpu.vector_load_idx %arg7[%add3A_24] : memref<10000xf32, #tpu.memory_space<vmem>>[vector<16xi32>], vector<16xf32>,
    %add3A_63 = arith.constant 1 : i32
    %add3A_64 = vector.broadcast %add3A_63 : i32 to vector<16xi32>
    %add3A_65 = arith.addi %add3A_24, %add3A_64 : vector<16xi32>
    %gather3A_66 = tpu.vector_load_idx %arg7[%add3A_65] : memref<10000xf32, #tpu.memory_space<vmem>>[vector<16xi32>], vector<16xf32>,
    %add3A_67 = arith.constant 2 : i32
    %add3A_68 = vector.broadcast %add3A_67 : i32 to vector<16xi32>
    %add3A_69 = arith.addi %add3A_24, %add3A_68 : vector<16xi32>
    %gather3A_70 = tpu.vector_load_idx %arg7[%add3A_69] : memref<10000xf32, #tpu.memory_space<vmem>>[vector<16xi32>], vector<16xf32>,
    %add3A_71 = arith.constant 3 : i32
    %add3A_72 = vector.broadcast %add3A_71 : i32 to vector<16xi32>
    %add3A_73 = arith.addi %add3A_24, %add3A_72 : vector<16xi32>
    %gather3A_74 = tpu.vector_load_idx %arg7[%add3A_73] : memref<10000xf32, #tpu.memory_space<vmem>>[vector<16xi32>], vector<16xf32>,
    %mul3A_75 = arith.constant 5.000000e-01 : f32
    %mul3A_76 = vector.broadcast %mul3A_75 : f32 to vector<16xf32>
    %mul3A_77 = arith.mulf %mul3A_76, %gather3A_70 : vector<16xf32>
    %sub3A_78 = arith.subf %gather3A_62, %mul3A_77 : vector<16xf32>
    %jit3A_79 = arith.constant 0.000000e+00 : f32
    %jit3A_80 = arith.constant 1.000000e+00 : f32
    %max3A = vector.broadcast %jit3A_79 : f32 to vector<16xf32>
    %max3A_81 = arith.maximumf %max3A, %sub3A_78 : vector<16xf32>
    %min3A = vector.broadcast %jit3A_80 : f32 to vector<16xf32>
    %min3A_82 = arith.minimumf %min3A, %max3A_81 : vector<16xf32>
    %mul3A_83 = arith.mulf %min3A_82, %convert_element_type3A_61 : vector<16xf32>
    %mul3A_84 = arith.constant 5.000000e-01 : f32
    %mul3A_85 = vector.broadcast %mul3A_84 : f32 to vector<16xf32>
    %mul3A_86 = arith.mulf %mul3A_85, %gather3A_74 : vector<16xf32>
    %sub3A_87 = arith.subf %gather3A_66, %mul3A_86 : vector<16xf32>
    %jit3A_88 = arith.constant 0.000000e+00 : f32
    %jit3A_89 = arith.constant 1.000000e+00 : f32
    %max3A_90 = vector.broadcast %jit3A_88 : f32 to vector<16xf32>
    %max3A_91 = arith.maximumf %max3A_90, %sub3A_87 : vector<16xf32>
    %min3A_92 = vector.broadcast %jit3A_89 : f32 to vector<16xf32>
    %min3A_93 = arith.minimumf %min3A_92, %max3A_91 : vector<16xf32>
    %mul3A_94 = arith.mulf %min3A_93, %convert_element_type3A_56 : vector<16xf32>
    %mul3A_95 = arith.constant 5.000000e-01 : f32
    %mul3A_96 = vector.broadcast %mul3A_95 : f32 to vector<16xf32>
    %mul3A_97 = arith.mulf %mul3A_96, %gather3A_70 : vector<16xf32>
    %add3A_98 = arith.addf %gather3A_62, %mul3A_97 : vector<16xf32>
    %jit3A_99 = arith.constant 0.000000e+00 : f32
    %jit3A_100 = arith.constant 1.000000e+00 : f32
    %max3A_101 = vector.broadcast %jit3A_99 : f32 to vector<16xf32>
    %max3A_102 = arith.maximumf %max3A_101, %add3A_98 : vector<16xf32>
    %min3A_103 = vector.broadcast %jit3A_100 : f32 to vector<16xf32>
    %min3A_104 = arith.minimumf %min3A_103, %max3A_102 : vector<16xf32>
    %mul3A_105 = arith.mulf %min3A_104, %convert_element_type3A_61 : vector<16xf32>
    %mul3A_106 = arith.constant 5.000000e-01 : f32
    %mul3A_107 = vector.broadcast %mul3A_106 : f32 to vector<16xf32>
    %mul3A_108 = arith.mulf %mul3A_107, %gather3A_74 : vector<16xf32>
    %add3A_109 = arith.addf %gather3A_66, %mul3A_108 : vector<16xf32>
    %jit3A_110 = arith.constant 0.000000e+00 : f32
    %jit3A_111 = arith.constant 1.000000e+00 : f32
    %max3A_112 = vector.broadcast %jit3A_110 : f32 to vector<16xf32>
    %max3A_113 = arith.maximumf %max3A_112, %add3A_109 : vector<16xf32>
    %min3A_114 = vector.broadcast %jit3A_111 : f32 to vector<16xf32>
    %min3A_115 = arith.minimumf %min3A_114, %max3A_113 : vector<16xf32>
    %mul3A_116 = arith.mulf %min3A_115, %convert_element_type3A_56 : vector<16xf32>
    tpu.vector_store_idx %arg8[%add3A_24], %mul3A_83 : memref<10000xf32, #tpu.memory_space<vmem>>[vector<16xi32>], vector<16xf32>,
    %add3A_117 = arith.constant 1 : i32
    %add3A_118 = vector.broadcast %add3A_117 : i32 to vector<16xi32>
    %add3A_119 = arith.addi %add3A_24, %add3A_118 : vector<16xi32>
    tpu.vector_store_idx %arg8[%add3A_119], %mul3A_94 : memref<10000xf32, #tpu.memory_space<vmem>>[vector<16xi32>], vector<16xf32>,
    %add3A_120 = arith.constant 2 : i32
    %add3A_121 = vector.broadcast %add3A_120 : i32 to vector<16xi32>
    %add3A_122 = arith.addi %add3A_24, %add3A_121 : vector<16xi32>
    tpu.vector_store_idx %arg8[%add3A_122], %mul3A_105 : memref<10000xf32, #tpu.memory_space<vmem>>[vector<16xi32>], vector<16xf32>,
    %add3A_123 = arith.constant 3 : i32
    %add3A_124 = vector.broadcast %add3A_123 : i32 to vector<16xi32>
    %add3A_125 = arith.addi %add3A_24, %add3A_124 : vector<16xi32>
    tpu.vector_store_idx %arg8[%add3A_125], %mul3A_116 : memref<10000xf32, #tpu.memory_space<vmem>>[vector<16xi32>], vector<16xf32>,
    %scan3A_126 = arith.constant 0 : i32
    %scan3A_127 = arith.constant 157 : i32
    %mul3A_128 = arith.constant 10000 : i32
    %mul3A_129 = arith.muli %add3A, %mul3A_128 : i32
    "tpu.region"() ({
      %run_scoped3A = tpu.sem_alloc : memref<!tpu.dma_semaphore, #tpu.memory_space<semaphore_mem>>
      %dma_start3A = tpu.memref_slice %arg5[%mul3A_129] : memref<320000xf32, #tpu.memory_space<hbm>> -> memref<10000xf32, #tpu.memory_space<hbm>>
      %dma_start3A_130 = tpu.memref_slice %arg5[%mul3A_129] : memref<320000xf32, #tpu.memory_space<hbm>> -> memref<10000xf32, #tpu.memory_space<hbm>>
      tpu.enqueue_dma source(%arg8 : memref<10000xf32, #tpu.memory_space<vmem>>) target(%dma_start3A_130 : memref<10000xf32, #tpu.memory_space<hbm>>) target_semaphore(%run_scoped3A : memref<!tpu.dma_semaphore, #tpu.memory_space<semaphore_mem>>)
      %dma_wait3A = tpu.memref_slice %arg5[%mul3A_129] : memref<320000xf32, #tpu.memory_space<hbm>> -> memref<10000xf32, #tpu.memory_space<hbm>>
      %dma_wait3A_131 = tpu.memref_slice %arg5[%mul3A_129] : memref<320000xf32, #tpu.memory_space<hbm>> -> memref<10000xf32, #tpu.memory_space<hbm>>
      tpu.wait_dma2 semaphore(%run_scoped3A : memref<!tpu.dma_semaphore, #tpu.memory_space<semaphore_mem>>) src(%arg8 : memref<10000xf32, #tpu.memory_space<vmem>>) dst(%dma_wait3A_131 : memref<10000xf32, #tpu.memory_space<hbm>>)
      tpu.yield
    }) : () -> ()
    return
  }
}

module attributes {stable_mosaic.version = 14 : i64} {
  func.func @_tc_body(%arg0: i32, %arg1: memref<1x5000x91xf32, #tpu.memory_space<vmem>>, %arg2: memref<1x1x5120xf32, #tpu.memory_space<vmem>>, %arg3: memref<1x1x5120xi32, #tpu.memory_space<vmem>>) attributes {dimension_semantics = [#tpu.dimension_semantics<arbitrary>], iteration_bounds = array<i64: 16>, scalar_prefetch = 0 : i64, scratch_operands = 0 : i64, tpu.core_type = #tpu.core_type<tc>, window_params = [{transform_indices = @transform_0, window_bounds = array<i64: 1, 5000, 91>}, {transform_indices = @transform_1, window_bounds = array<i64: 1, 1, 5120>}, {transform_indices = @transform_2, window_bounds = array<i64: 1, 1, 5120>}]} {
    %get3A = arith.constant 0 : index
    %get3A_0 = arith.constant 0 : index
    %get3A_1 = arith.constant 0 : index
    %get3A_2 = vector.load %arg1[%get3A, %get3A_0, %get3A_1] : memref<1x5000x91xf32, #tpu.memory_space<vmem>>, vector<1x5000x91xf32>
    %get3A_3 = vector.shape_cast %get3A_2 : vector<1x5000x91xf32> to vector<5000x91xf32>
    %transpose3A = tpu.transpose %get3A_3, [1, 0] : vector<5000x91xf32> -> vector<91x5000xf32>
    %iota3A = tpu.iota {dimensions = array<i32: 0>} : vector<91x5000xi32>
    %reduce_max3A = arith.constant dense<0xFF800000> : vector<5000xf32>
    %reduce_max3A_4 = vector.multi_reduction <maximumf>, %transpose3A, %reduce_max3A [0] : vector<91x5000xf32> to vector<5000xf32>
    %broadcast_in_dim3A = vector.shape_cast %reduce_max3A_4 : vector<5000xf32> to vector<1x5000xf32>
    %eq3A = vector.broadcast %broadcast_in_dim3A : vector<1x5000xf32> to vector<91x5000xf32>
    %eq3A_5 = arith.cmpf oeq, %transpose3A, %eq3A : vector<91x5000xf32>
    %jit3A = arith.constant 91 : i32
    %broadcast_in_dim3A_6 = vector.broadcast %jit3A : i32 to vector<91x5000xi32>
    %select_n3A = arith.select %eq3A_5, %iota3A, %broadcast_in_dim3A_6 : vector<91x5000xi1>, vector<91x5000xi32>
    %reduce_min3A = arith.constant dense<2147483647> : vector<5000xi32>
    %reduce_min3A_7 = vector.multi_reduction <minsi>, %select_n3A, %reduce_min3A [0] : vector<91x5000xi32> to vector<5000xi32>
    %exp3A = math.exp %transpose3A : vector<91x5000xf32>
    %reduce_sum3A = arith.constant dense<0.000000e+00> : vector<5000xf32>
    %reduce_sum3A_8 = vector.multi_reduction <add>, %exp3A, %reduce_sum3A [0] : vector<91x5000xf32> to vector<5000xf32>
    %exp3A_9 = math.exp %reduce_max3A_4 : vector<5000xf32>
    %div3A = arith.divf %exp3A_9, %reduce_sum3A_8 : vector<5000xf32>
    %broadcast_in_dim3A_10 = arith.constant 0.000000e+00 : f32
    %broadcast_in_dim3A_11 = vector.broadcast %broadcast_in_dim3A_10 : f32 to vector<120xf32>
    %concatenate3A = tpu.concatenate %div3A, %broadcast_in_dim3A_11 in 0 : vector<5000xf32>, vector<120xf32> -> vector<5120xf32>
    %reshape3A = vector.shape_cast %concatenate3A : vector<5120xf32> to vector<1x5120xf32>
    %swap3A = arith.constant 0 : index
    %swap3A_12 = arith.constant 0 : index
    %swap3A_13 = arith.constant 0 : index
    %swap3A_14 = vector.load %arg2[%swap3A, %swap3A_12, %swap3A_13] : memref<1x1x5120xf32, #tpu.memory_space<vmem>>, vector<1x1x5120xf32>
    %swap3A_15 = vector.shape_cast %swap3A_14 : vector<1x1x5120xf32> to vector<1x5120xf32>
    %swap3A_16 = vector.shape_cast %reshape3A : vector<1x5120xf32> to vector<1x1x5120xf32>
    tpu.vector_store %arg2[%swap3A, %swap3A_12, %swap3A_13], %swap3A_16 {strides = array<i32>} : memref<1x1x5120xf32, #tpu.memory_space<vmem>>, vector<1x1x5120xf32>,
    %broadcast_in_dim3A_17 = arith.constant 0 : i32
    %broadcast_in_dim3A_18 = vector.broadcast %broadcast_in_dim3A_17 : i32 to vector<120xi32>
    %concatenate3A_19 = tpu.concatenate %reduce_min3A_7, %broadcast_in_dim3A_18 in 0 : vector<5000xi32>, vector<120xi32> -> vector<5120xi32>
    %reshape3A_20 = vector.shape_cast %concatenate3A_19 : vector<5120xi32> to vector<1x5120xi32>
    %swap3A_21 = arith.constant 0 : index
    %swap3A_22 = arith.constant 0 : index
    %swap3A_23 = arith.constant 0 : index
    %swap3A_24 = vector.load %arg3[%swap3A_21, %swap3A_22, %swap3A_23] : memref<1x1x5120xi32, #tpu.memory_space<vmem>>, vector<1x1x5120xi32>
    %swap3A_25 = vector.shape_cast %swap3A_24 : vector<1x1x5120xi32> to vector<1x5120xi32>
    %swap3A_26 = vector.shape_cast %reshape3A_20 : vector<1x5120xi32> to vector<1x1x5120xi32>
    tpu.vector_store %arg3[%swap3A_21, %swap3A_22, %swap3A_23], %swap3A_26 {strides = array<i32>} : memref<1x1x5120xi32, #tpu.memory_space<vmem>>, vector<1x1x5120xi32>,
    return
  }
  func.func @transform_0(%arg0: i32) -> (i32, i32, i32) {
    %c0_i32 = arith.constant 0 : i32
    %c0_i32_0 = arith.constant 0 : i32
    %c0_i32_1 = arith.constant 0 : i32
    return %arg0, %c0_i32, %c0_i32_0 : i32, i32, i32
  }
  func.func @transform_1(%arg0: i32) -> (i32, i32, i32) {
    %c0_i32 = arith.constant 0 : i32
    %c0_i32_0 = arith.constant 0 : i32
    %c0_i32_1 = arith.constant 0 : i32
    return %arg0, %c0_i32, %c0_i32_0 : i32, i32, i32
  }
  func.func @transform_2(%arg0: i32) -> (i32, i32, i32) {
    %c0_i32 = arith.constant 0 : i32
    %c0_i32_0 = arith.constant 0 : i32
    %c0_i32_1 = arith.constant 0 : i32
    return %arg0, %c0_i32, %c0_i32_0 : i32, i32, i32
  }
}

</mosaic_0001>

<sc_bundles>
// kernel: kernel.4.cloned.1.call-start
scs
__scs_entry_jumppad:
0x0: {  	(pc) =	sbr.rel $0x88, $3  }
0x1: {  	(tag) =	ssettag $0x0;
	lr =	simm.s32 $0x1  }
0x2: {  	[smem:$0x3F9D] =	sst lr;
	_ =	strace $0xD0000000  }
0x3: {  	_ = 	snop  }
0x4: {  	_ = 	snop  }
0x5: {  	_ = 	snop  }
0x6: {  	_ = 	snop  }
0x7: {  	_ = 	snop  }
__scs_overlays_trampoline_lowered:
0x8: {  	[smem:$0x3FAC] =	sst s0  }
0x9: {  	[smem:$0x3FAD] =	sst s1  }
0xa: {  	[smem:$0x3FAE] =	sst s2  }
0xb: {  	[smem:$0x3FAF] =	sst s3  }
0xc: {  	[smem:$0x3FB0] =	sst s4  }
0xd: {  	[smem:$0x3FB1] =	sst s5  }
0xe: {  	[smem:$0x3FB2] =	sst s6  }
0xf: {  	[smem:$0x3FB3] =	sst s7  }
0x10: {  	[smem:$0x3FB4] =	sst s8  }
0x11: {  	[smem:$0x3FB5] =	sst s9;
	s0 =	simm.s32 @!p0 $0x0  }
0x12: {  	s1 =	sld [smem:$0x3F9B];
	s0 =	simm.s32 @p0 $0x1  }
0x13: {  	[smem:$0x3FB6] =	sst s0;
	s0 =	simm.s32 @!p1 $0x0  }
0x14: {  	s2 =	sld [smem:$0x3F9A];
	s0 =	simm.s32 @p1 $0x1  }
0x15: {  	[smem:$0x3FB7] =	sst s0;
	s0 =	simm.s32 @!p2 $0x0  }
0x16: {  	s3 =	sld [smem:$0x3FDB];
	s0 =	simm.s32 @p2 $0x1  }
0x17: {  	s4 =	simm.s32 $0x1BF5;
	[smem:$0x3FB9] =	sst s0  }
0x18: {  	s0 =	sld [smem:$0x3F9C];
	_ =	swait.ge [sflag:s4], $0x0  }
0x19: {  	s7 =	sld [smem:$0x3F9D]  }
0x1a: {  	s8 =	sadd.s32 $0xFFFFE003, lr  }
0x1b: {  	s9 =	sadd.s32 $0xFFFFFEF7, lr;
	s5 =	simm.s32 $0xFFFFFFFF;
	p2 =	slt.u32 s8, $0xFFFFF086  }
0x1c: {  	p1 =	slt.u32 s9, $0xF7A;
	s5 =	simm.s32 @!p2 $0x0  }
0x1d: {  	s5 =	simm.s32 @p1 $0x1;
	p0 =	seq.s32 s7, s2  }
0x1e: {  	s7 =	smul.u32 @!p0 $0xF7A, s2;
	p2 =	seq.s32 @!p0 s5, $0x0  }
0x1f: {  	s9 =	smul.u32 $0xF7A, s1;
	s8 =	simm.s32 @!p0 $0x1BF5;
	p2 =	por !p2, p0  }
0x20: {  	[sflag:s8] =	ssyncset.s32 @!p0 $0xFFFFF086;
	s6 =	sadd.s32 @!p0 s3, s7;
	s7 =	simm.s32 @!p0 $0x108  }
0x21: {  	s3 =	sadd.s32 s3, s9;
	s6 =	sadd.s32 @!p0 $0x88, s6;
	s7 =	simm.s32 @p2 $0x1082  }
0x22: {  	[simem:s7], [sflag:s8] =	dma.local @!p0 [hbm:s6], $0xF7A  }
0x23: {  	s9 =	sor.u32 $0xD0000000, s2;
	s6 =	simm.s32 $0x108;
	_ =	swait.ge @!p0 [sflag:s8], $0x0  }
0x24: {  	s3 =	sadd.s32 $0x88, s3;
	s6 =	simm.s32 @!p1 $0x1082;
	[sflag:s4] =	ssyncset.s32 $0xFFFFF086  }
0x25: {  	[simem:s6], [sflag:s4] =	dma.local [hbm:s3], $0xF7A  }
0x26: {  	[smem:$0x3F9D] =	sst s1;
	(tag) =	ssettag s2;
	_ =	strace s9  }
0x27: {  	s1 =	sld [smem:$0x3FAD]  }
0x28: {  	s2 =	sld [smem:$0x3FAE]  }
0x29: {  	s4 =	sld [smem:$0x3FB0]  }
0x2a: {  	p0 =	seq.s32 s5, $0x0;
	s5 =	sld [smem:$0x3FB1]  }
0x2b: {  	s6 =	sld [smem:$0x3FB2]  }
0x2c: {  	s7 =	sld [smem:$0x3FB3]  }
0x2d: {  	s3 =	simm.s32 $0x108;
	s8 =	sld [smem:$0x3FB4]  }
0x2e: {  	s3 =	simm.s32 @!p0 $0x1082;
	s9 =	sld [smem:$0x3FB5]  }
0x2f: {  	lr =	sadd.s32 s0, s3;
	s0 =	sld [smem:$0x3FAC]  }
0x30: {  	s3 =	sld [smem:$0x3FAF]  }
0x31: {  	[smem:$0x3FB8] =	sst s10  }
0x32: {  	s10 =	sld [smem:$0x3FB6];
	_ =	sdelay $0x3  }
0x33: {  	p0 =	seq.s32 s10, $0x1;
	s10 =	sld [smem:$0x3FB8];
	_ =	sdelay $0x3  }
0x34: {  	[smem:$0x3FB8] =	sst s10  }
0x35: {  	s10 =	sld [smem:$0x3FB7];
	_ =	sdelay $0x3  }
0x36: {  	p1 =	seq.s32 s10, $0x1;
	s10 =	sld [smem:$0x3FB8];
	_ =	sdelay $0x3  }
0x37: {  	[smem:$0x3FB8] =	sst s10  }
0x38: {  	s10 =	sld [smem:$0x3FB9]  }
0x39: {  	_ = 	snop;
	(pc) =	sbr.ind lr, $3  }
0x3a: {  	_ = 	snop  }
0x3b: {  	_ = 	snop  }
0x3c: {  	p2 =	seq.s32 s10, $0x1;
	s10 =	sld [smem:$0x3FB8]  }
0x3d: {  	_ =	shalt  }
0x3e: {  	_ =	shalt  }
0x3f: {  	_ =	shalt  }
0x40: {  	_ =	shalt  }
0x41: {  	_ =	shalt  }
0x42: {  	_ =	shalt  }
0x43: {  	_ =	shalt  }
0x44: {  	_ =	shalt  }
0x45: {  	_ =	shalt  }
0x46: {  	_ =	shalt  }
0x47: {  	_ =	shalt  }
0x48: {  	_ =	shalt  }
0x49: {  	_ =	shalt  }
0x4a: {  	_ =	shalt  }
0x4b: {  	_ =	shalt  }
0x4c: {  	_ =	shalt  }
0x4d: {  	_ =	shalt  }
0x4e: {  	_ =	shalt  }
0x4f: {  	_ =	shalt  }
0x50: {  	_ =	shalt  }
0x51: {  	_ =	shalt  }
0x52: {  	_ =	shalt  }
0x53: {  	_ =	shalt  }
0x54: {  	_ =	shalt  }
0x55: {  	_ =	shalt  }
0x56: {  	_ =	shalt  }
0x57: {  	_ =	shalt  }
0x58: {  	_ =	shalt  }
0x59: {  	_ =	shalt  }
0x5a: {  	_ =	shalt  }
0x5b: {  	_ =	shalt  }
0x5c: {  	_ =	shalt  }
0x5d: {  	_ =	shalt  }
0x5e: {  	_ =	shalt  }
0x5f: {  	_ =	shalt  }
0x60: {  	_ =	shalt  }
0x61: {  	_ =	shalt  }
0x62: {  	_ =	shalt  }
0x63: {  	_ =	shalt  }
0x64: {  	_ =	shalt  }
0x65: {  	_ =	shalt  }
0x66: {  	_ =	shalt  }
0x67: {  	_ =	shalt  }
0x68: {  	_ =	shalt  }
0x69: {  	_ =	shalt  }
0x6a: {  	_ =	shalt  }
0x6b: {  	_ =	shalt  }
0x6c: {  	_ =	shalt  }
0x6d: {  	_ =	shalt  }
0x6e: {  	_ =	shalt  }
0x6f: {  	_ =	shalt  }
0x70: {  	_ =	shalt  }
0x71: {  	_ =	shalt  }
0x72: {  	_ =	shalt  }
0x73: {  	_ =	shalt  }
0x74: {  	_ =	shalt  }
0x75: {  	_ =	shalt  }
0x76: {  	_ =	shalt  }
0x77: {  	_ =	shalt  }
0x78: {  	_ =	shalt  }
0x79: {  	_ =	shalt  }
0x7a: {  	_ =	shalt  }
0x7b: {  	_ =	shalt  }
0x7c: {  	_ =	shalt  }
0x7d: {  	_ =	shalt  }
0x7e: {  	_ =	shalt  }
0x7f: {  	_ =	shalt  }
0x80: {  	_ =	shalt  }
0x81: {  	_ =	shalt  }
0x82: {  	_ =	shalt  }
0x83: {  	_ =	shalt  }
0x84: {  	_ =	shalt  }
0x85: {  	_ =	shalt  }
0x86: {  	_ =	shalt  }
0x87: {  	_ =	shalt  }
.Lfunc_end0:
.L_simem_size_0:
called_computation_lowered:
.L_overlay_start_0:
0x88: {  	s2 =	sld [smem:$0x3FD9]  }
0x89: {  	s3 =	sld [smem:$0x3FFE];
	_ =	sdelay $0x1  }
0x8a: {  	s1 =	srdreg.scid  }
0x8b: {  	s0 =	sand.u32 $0x1, s1  }
0x8c: {  	s14 =	sshll.u32 s0, $0xA;
	s2 =	sadd.s32 s3, s2  }
0x8d: {  	s2 =	sadd.s32 s2, s14  }
0x8e: {  	[smem:$0x3FC4] =	sst s2  }
0x8f: {  	_ = 	snop  }
0x90: {  	s2 =	sld [smem:$0x3FD0];
	_ =	sdelay $0x2  }
0x91: {  	s15 =	simm.s32 $0xA;
	s4 =	simm.s32 $0x10  }
0x92: {  	[smem:s4], [sflag:s15] =	dma.local [hbm:s2], $0x1  }
0x93: {  	_ =	swait.eq [sflag:s15], $0x1  }
0x94: {  	[sflag:s15] =	ssyncset.done $0x0  }
0x95: {  	s16 =	sld [smem:$0x12];
	[sflag:s15] =	ssyncadd.s32 $0xFFFFFFFF  }
0x96: {  	s17 =	sld [smem:$0x13];
	(tm) =	ssettm $0x1  }
0x97: {  	s18 =	sld [smem:$0x3FFB];
	_ =	sdelay $0x3  }
0x98: {  	_ =	strace s18  }
0x99: {  	s4 =	sld [smem:$0x3FFC];
	_ =	sdelay $0x3  }
0x9a: {  	_ =	strace s4  }
0x9b: {  	s4 =	sld [smem:$0x3FFD];
	_ =	sdelay $0x3  }
0x9c: {  	_ =	strace s4  }
0x9d: {  	_ =	strace $0x8FFFFFFF  }
0x9e: {  	s19 =	sld [smem:$0x3FDB];
	_ =	sdelay $0x1  }
0x9f: {  	s5 =	simm.s32 $_scs_section_size  }
0xa0: {  	s6 =	simm.s32 $_size__tile_overlayer_lowered;
	s7 =	simm.s32 $_tile_overlayer_lowered  }
0xa1: {  	s22 =	simm.s32 $0x1BFF;
	s21 =	sshll.u32 s7, $0x1;
	s4 =	sadd.s32 s5, s19  }
0xa2: {  	s8 =	simm.s32 $0x0;
	s20 =	sshll.u32 s6, $0x1;
	s6 =	sadd.s32 s21, s4  }
0xa3: {  	[timem:s8], [sflag:s22] =	dma.local [hbm:s6], s20  }
0xa4: {  	_ =	swait.ge [sflag:s22], s20  }
0xa5: {  	s5 =	ssub.s32 $0x0, s20;
	[sflag:s22] =	ssyncset.done $0x0  }
0xa6: {  	[sflag:s22] =	ssyncadd.s32 s5;
	_ =	sdelay $0x1  }
0xa7: {  	s23 =	simm.s32 $0x1B8B  }
0xa8: {  	_ =	swait.ge [sflag:s23], $0x1  }
0xa9: {  	[sflag:s23] =	ssyncset.done $0x0  }
0xaa: {  	s25 =	simm.s32 $0x1B8E;
	s24 =	sld [smem:$0x3FFE];
	[sflag:s23] =	ssyncadd.s32 $0xFFFFFFFF  }
0xab: {  	s26 =	simm.s32 $execute0_lowered;
	[smem:$0x3FD2] =	sst s25  }
0xac: {  	s6 =	sshll.u32 s26, $0x1;
	_ =	strace $0x80000046;
	[dreg:$0x1] =	wrdreg $0xFFFFFFFF  }
0xad: {  	s28 =	simm.s32 $_size_execute0_lowered;
	s4 =	sadd.s32 s4, s6;
	[dreg:$0x0] =	wrdreg $0x0  }
0xae: {  	s6 =	sshll.u32 s28, $0x1;
	[dreg:$0x2] =	wrdreg s4  }
0xaf: {  	[dreg:$0x3] =	wrdreg s6  }
0xb0: {  	[dreg:$0x4] =	wrdreg $0xC0  }
0xb1: {  	_ =	task [dreg:s8], $0x5FFFF  }
0xb2: {  	[dreg:$0x1] =	wrdreg $0xFFFFFFFF  }
0xb3: {  	[dreg:$0x0] =	wrdreg $0x60  }
0xb4: {  	[dreg:$0x2] =	wrdreg s16  }
0xb5: {  	[dreg:$0x3] =	wrdreg s24  }
0xb6: {  	[dreg:$0x4] =	wrdreg s17  }
0xb7: {  	[dreg:$0x5] =	wrdreg $0x9  }
0xb8: {  	_ =	task.clear_ibuf [dreg:s8], $0x6FFFF;
	_ =	strace $0x90000046  }
0xb9: {  	s29 =	simm.s32 $0x9;
	_ =	strace $0x80000048  }
0xba: {  	_ =	swait.ge [sflag:s29], $0x1  }
0xbb: {  	[sflag:s29] =	ssyncadd.s32 $0xFFFFFFFF  }
0xbc: {  	_ =	strace $0x90000048  }
0xbd: {  	_ =	sfence  }
0xbe: {  	s30 =	sld [smem:$0x0];
	_ =	sdelay $0x2  }
0xbf: {  	s31 =	sshll.u32 s1, $0xD;
	s1 =	sshrl.u32 s1, $0x2  }
0xc0: {  	s3 =	sand.u32 $0x4000, s31;
	s1 =	sadd.s32 s1, s30  }
0xc1: {  	s0 =	sor.u32 s3, s0;
	s1 =	sshll.u32 s1, $0x11  }
0xc2: {  	s0 =	sor.u32 s1, s0  }
0xc3: {  	s0 =	sadd.s32 $0x8F2B, s0  }
0xc4: {  	[sflag:s0] =	ssyncadd.remote.s32 $0x1  }
0xc5: {  	_ =	sfence.sel $0xFFFF  }
0xc6: {  	[dreg:$0x0] =	wrdreg $0xFFFFFFFF;
	(pc) =	sbr.abs _section_cstart, $3  }
0xc7: {  	[dreg:$0x1] =	wrdreg $0xFFFFFFFF  }
0xc8: {  	_ =	task.clear_ibuf [dreg:s8], $0x2FFFF;
	_ =	strace $0x9FFFFFFF  }
0xc9: {  	(tm) =	ssettm $0x7FFFFFFF  }
tec
execute0_lowered:
.L_overlay_start_1:
0x0: {  	(tag) =	ssettag $0x1  }
0x1: {  	s1 =	srdreg.scid;
	s0 =	stileid.u32  }
0x2: {  	s5 =	sand.u32 $0x1, s1;
	s31 =	sshll.u32 s0, $0x1  }
0x3: {  	s10 =	sor.u32 s5, s31  }
0x4: {  	s1 =	smul.u32 $0x9C4, s10  }
0x5: {  	s6 =	rddreg [dreg:$0x0]  }
0x6: {  	s7 =	rddreg [dreg:$0x1];
	v0 =	vlaneseq.u32;
	s4 =	sadd.s32 $0x9B4, s1  }
0x7: {  	s2 =	rddreg [dreg:$0x2];
	s3 =	simm.s32 $0x0;
	v1 =	vadd.s32 s4, v0  }
0x8: {  	s14 =	simm.s32 $0x2780;
	s15 =	simm.s32 $0x0;
	s11 =	smul.u32 $0x1388, s0;
	v1 =	vmulhi.u32 $0xD1B71759, v1  }
0x9: {  	[smem:$0x7FF] =	sst s3;
	s9 =	ssub.s32 $0x2, s5;
	s13 =	smul.u32 $0x9C4, s5  }
0xa: {  	s5 =	sadd.s32 $0x2C00, s7;
	s8 =	smul.u32 $0x4E2, s10;
	s12 =	sshrl.u32 s9, $0x1;
	v2 =	vshrl.u32 v1, $0xC;
	v1 =	vmul.u32 $0x4, v0  }
0xb: {  	p0 =	sne.s32 s10, $0x0;
	s10 =	simm.s32 $0x4F80;
	s9 =	ssub.s32 s9, s12;
	v2 =	vshll.u32 v2, $0x1  }
0xc: {  	v4 =	vmul.u32 $0xA, v0;
	s11 =	sadd.s32 s13, s11;
	s12 =	simm.s32 $0x1;
	s13 =	simm.s32 $0x4F00;
	v3 =	vor.u32 $0x1, v2;
	v5 =	vor.u32 $0x1, v1  }
0xd: {  	s1 =	rddreg [dreg:$0x3];
	_ =	strace $0x80000047;
	s6 =	sadd.s32 s6, s8;
	v6 =	vor.u32 $0x2, v1;
	v7 =	vor.u32 $0x3, v1;
	v8 =	vor.u32 $0x41, v1  }
0xe: {  	s4 =	sadd.s32 $0x2A00, s7;
	s7 =	sadd.s32 s8, s7;
	s8 =	smax.u32 s9, $0x1;
	v9 =	vor.u32 $0x42, v1;
	v10 =	vor.u32 $0x43, v1;
	v11 =	vadd.s32 $0x26D0, v1  }
0xf: {  	s9 =	sadd.s32 $0x30, s11;
	s11 =	simm.s32 $0x5080;
	s7 =	sadd.s32 $0x2E00, s7;
	v12 =	vadd.s32 $0x26D1, v1;
	v13 =	vadd.s32 $0x26D2, v1;
	v14 =	vadd.s32 $0x26D3, v1  }
.LBB2_1:
.Ltmp0:
0x10: {  	(pc) =	sbr.rel @p0 .LBB2_5-.Ltmp0, $1  }
0x11: {  	_ =	sdelay $0x3  }
0x12: {  	s16 =	simm.s32 $0x1  }
0x13: {  	[tilespmem:s10], [sflag:$0x1] =	stream.linear.gather [hbm4b:s4+s3], $0x100, $0x38;
	v16 =	vadd.s32 s16, v4;
	[tilespmem:$0x5100] =	vst v63  }
0x14: {  	_ =	swait.ge [sflag:s16], $0x100  }
0x15: {  	[sflag:s16] =	ssyncset.done $0x0  }
0x16: {  	[sflag:s16] =	ssyncadd.s32 $0xFFFFFF00  }
0x17: {  	s17 =	simm.s32 $0x2;
	v15 =	vld.idx.msk [tilespmem:v4+s10+$0x0], $0xffff  }
0x18: {  	v17 =	vadd.s32 s17, v4;
	v18 =	vld.idx.msk [tilespmem:v16+s10+$0x0], $0xffff;
	_ =	sdelay $0x4  }
0x19: {  	s18 =	simm.s32 $0x3;
	v16 =	vimm.s32 $0x0;
	v17 =	vld.idx.msk [tilespmem:v17+s10+$0x0], $0xffff;
	vm0 =	vgt.f32 v18, v15  }
.LBB2_3:
0x1a: {  	p1 =	sne.s32 s18, $0x9  }
0x1b: {  	v19 =	vadd.s32 s18, v4;
	v15 =	vsel vm0, v18, v15;
	v16 =	vsel vm0, s16, v16;
	s16 =	smov.u32 s17;
	s17 =	smov.u32 s18;
	s18 =	sadd.s32 $0x1, s18  }
.Ltmp1:
0x1c: {  	(pc) =	sbr.rel @p1 .LBB2_3-.Ltmp1, $2  }
0x1d: {  	_ =	sdelay $0x2  }
0x1e: {  	vm0 =	vgt.f32 v17, v15;
	v18 =	vmov v17;
	v17 =	vld.idx.msk [tilespmem:v19+s10+$0x0], $0xffff  }
0x1f: {  	_ =	sdelay $0x2  }
0x20: {  	v15 =	vsel vm0, v18, v15  }
0x21: {  	v16 =	vsel vm0, s16, v16;
	vm15 =	vgt.f32 v17, v15  }
0x22: {  	v15 =	vsel vm15, s17, v16  }
0x23: {  	[tilespmem:$0x5080] =	vst v15  }
0x24: {  	[hbm4b:s2+s3] =	stream.linear.scatter [tilespmem:s11], [sflag:$0x1], $0x80, $0x38;
	[tilespmem:$0x5100] =	vst v63  }
0x25: {  	_ =	swait.ge [sflag:s12], $0x80  }
0x26: {  	[sflag:s12] =	ssyncset.done $0x0  }
0x27: {  	[sflag:s12] =	ssyncadd.s32 $0xFFFFFF80  }
.LBB2_5:
0x28: {  	s16 =	simm.s32 $0x0  }
0x29: {  	[tilespmem:s13], [sflag:$0x1] =	stream.linear.gather [hbm4b:s5+s16], $0x80, $0x38;
	[tilespmem:$0x5100] =	vst v63  }
0x2a: {  	s17 =	sadd.s32 $0xFFFFFFD0, s9;
	_ =	swait.ge [sflag:s12], $0x80  }
0x2b: {  	v15 =	vadd.s32 s17, v0;
	[sflag:s12] =	ssyncset.done $0x0  }
0x2c: {  	v17 =	vor.u32 s16, v6;
	v15 =	vmulhi.u32 $0xD1B71759, v15;
	[sflag:s12] =	ssyncadd.s32 $0xFFFFFF80  }
0x2d: {  	v18 =	vor.u32 s16, v7;
	[tilespmem:s16], [sflag:$0x1] =	stream.linear.gather [hbm4b:s6+s16], $0x2710, $0x38;
	[tilespmem:$0x5100] =	vst v63  }
0x2e: {  	v16 =	vor.u32 s16, v1;
	v15 =	vshrl.u32 v15, $0xC;
	_ =	swait.ge [sflag:s12], $0x2710  }
0x2f: {  	v19 =	vor.u32 s16, v5;
	v15 =	vshll.u32 v15, $0x1;
	[sflag:s12] =	ssyncset.done $0x0  }
0x30: {  	v20 =	vor.u32 $0x1, v15;
	[sflag:s12] =	ssyncadd.s32 $0xFFFFD8F0  }
0x31: {  	v22 =	vld.idx.msk [tilespmem:v17+s3+$0x0], $0xffff  }
0x32: {  	v23 =	vld.idx.msk [tilespmem:v18+s3+$0x0], $0xffff  }
0x33: {  	v21 =	vld.idx.msk [tilespmem:v16+s3+$0x0], $0xffff  }
0x34: {  	v24 =	vld.idx.msk [tilespmem:v19+s3+$0x0], $0xffff  }
0x35: {  	v20 =	vld.idx.msk [tilespmem:v20+s13+$0x0], $0xffff  }
0x36: {  	s22 =	simm.s32 $0x40;
	s23 =	sadd.s32 $0xFFFFFFE0, s9;
	v15 =	vld.idx.msk [tilespmem:v15+s13+$0x0], $0xffff;
	v22 =	vmul.f32 $5.000000000e-01, v22  }
0x37: {  	v25 =	vmov s22;
	v26 =	vadd.s32 s23, v0;
	v23 =	vmul.f32 $5.000000000e-01, v23  }
0x38: {  	v25 =	vand.u32 $0x3F00, v25;
	v26 =	vmulhi.u32 $0xD1B71759, v26;
	v28 =	vsub.f32 v21, v22  }
0x39: {  	v27 =	vor.u32 v9, v25;
	v21 =	vadd.f32 v22, v21;
	v22 =	vsub.f32 v24, v23  }
0x3a: {  	v23 =	vadd.f32 v23, v24;
	v20 =	vcvt.s32.f32 v20;
	v24 =	vmax.f32 v28, $0.0e+00  }
0x3b: {  	v15 =	vcvt.s32.f32 v15;
	v22 =	vmax.f32 v22, $0.0e+00;
	v24 =	vmin.f32 v24, $1.000000000e+00  }
0x3c: {  	v21 =	vmax.f32 v21, $0.0e+00;
	v22 =	vmin.f32 v22, $1.000000000e+00;
	v24 =	vmul.f32 v20, v24  }
0x3d: {  	v23 =	vmax.f32 v23, $0.0e+00;
	v21 =	vmin.f32 v21, $1.000000000e+00;
	v22 =	vmul.f32 v15, v22  }
0x3e: {  	v28 =	vor.u32 v10, v25;
	v23 =	vmin.f32 v23, $1.000000000e+00;
	v20 =	vmul.f32 v20, v21;
	[tilespmem:v16+s14+$0x0] =	vst.idx.msk $0xffff, v24  }
0x3f: {  	v15 =	vmul.f32 v15, v23;
	v16 =	vor.u32 s22, v1;
	[tilespmem:v19+s14+$0x0] =	vst.idx.msk $0xffff, v22;
	v19 =	vshrl.u32 v26, $0xB  }
0x40: {  	v21 =	vor.u32 v8, v25;
	[tilespmem:v17+s14+$0x0] =	vst.idx.msk $0xffff, v20;
	v17 =	vand.u32 $0x1FFFFE, v19  }
0x41: {  	[tilespmem:v18+s14+$0x0] =	vst.idx.msk $0xffff, v15;
	v15 =	vor.u32 $0x1, v17  }
0x42: {  	v18 =	vld.idx.msk [tilespmem:v27+s3+$0x0], $0xffff  }
0x43: {  	v19 =	vld.idx.msk [tilespmem:v28+s3+$0x0], $0xffff  }
0x44: {  	v20 =	vld.idx.msk [tilespmem:v16+s3+$0x0], $0xffff  }
0x45: {  	v22 =	vld.idx.msk [tilespmem:v21+s3+$0x0], $0xffff  }
0x46: {  	s24 =	sadd.s32 $0xFFFFFFF0, s9;
	v15 =	vld.idx.msk [tilespmem:v15+s13+$0x0], $0xffff  }
0x47: {  	v23 =	vadd.s32 s24, v0;
	v17 =	vld.idx.msk [tilespmem:v17+s13+$0x0], $0xffff;
	v18 =	vmul.f32 $5.000000000e-01, v18  }
0x48: {  	s25 =	simm.s32 $0x80;
	v23 =	vmulhi.u32 $0xD1B71759, v23;
	v19 =	vmul.f32 $5.000000000e-01, v19  }
0x49: {  	v29 =	vor.u32 s25, v6;
	v25 =	vsub.f32 v20, v18  }
0x4a: {  	v18 =	vadd.f32 v18, v20;
	v20 =	vshrl.u32 v23, $0xB;
	v23 =	vsub.f32 v22, v19  }
0x4b: {  	v19 =	vadd.f32 v19, v22;
	v15 =	vcvt.s32.f32 v15;
	v22 =	vmax.f32 v25, $0.0e+00  }
0x4c: {  	v17 =	vcvt.s32.f32 v17;
	v23 =	vmax.f32 v23, $0.0e+00;
	v22 =	vmin.f32 v22, $1.000000000e+00  }
0x4d: {  	v18 =	vmax.f32 v18, $0.0e+00;
	v23 =	vmin.f32 v23, $1.000000000e+00;
	v22 =	vmul.f32 v15, v22  }
0x4e: {  	v19 =	vmax.f32 v19, $0.0e+00;
	v18 =	vmin.f32 v18, $1.000000000e+00;
	v23 =	vmul.f32 v17, v23  }
0x4f: {  	v30 =	vor.u32 s25, v7;
	v19 =	vmin.f32 v19, $1.000000000e+00;
	v15 =	vmul.f32 v15, v18;
	[tilespmem:v16+s14+$0x0] =	vst.idx.msk $0xffff, v22  }
0x50: {  	s26 =	sadd.s32 $0x40, s9;
	v25 =	vor.u32 s25, v1;
	v17 =	vmul.f32 v17, v19;
	[tilespmem:v21+s14+$0x0] =	vst.idx.msk $0xffff, v23  }
0x51: {  	s18 =	sadd.s32 $0xFFFFFFD0, s26;
	v33 =	vor.u32 s25, v5;
	[tilespmem:v27+s14+$0x0] =	vst.idx.msk $0xffff, v15  }
0x52: {  	v18 =	vadd.s32 s18, v0;
	v19 =	vand.u32 $0x1FFFFE, v20;
	[tilespmem:v28+s14+$0x0] =	vst.idx.msk $0xffff, v17  }
0x53: {  	v15 =	vmulhi.u32 $0xD1B71759, v18;
	v18 =	vor.u32 $0x1, v19;
	v17 =	vld.idx.msk [tilespmem:v29+s3+$0x0], $0xffff  }
0x54: {  	v31 =	vld.idx.msk [tilespmem:v30+s3+$0x0], $0xffff  }
0x55: {  	s31 =	simm.s32 $0x140;
	v24 =	vadd.s32 s9, v0;
	v32 =	vld.idx.msk [tilespmem:v25+s3+$0x0], $0xffff  }
0x56: {  	s30 =	simm.s32 $0x100;
	s28 =	sadd.s32 $0xFFFFFFF0, s26;
	v36 =	vmov s31;
	v16 =	vmulhi.u32 $0xD1B71759, v24;
	v34 =	vld.idx.msk [tilespmem:v33+s3+$0x0], $0xffff  }
0x57: {  	s29 =	sadd.s32 $0xFFFFFFE0, s26;
	v36 =	vand.u32 $0x3F00, v36;
	v20 =	vadd.s32 s28, v0;
	v22 =	vor.u32 s30, v7;
	v19 =	vld.idx.msk [tilespmem:v19+s13+$0x0], $0xffff  }
0x58: {  	v21 =	vadd.s32 s29, v0;
	v23 =	vor.u32 s30, v1;
	v28 =	vshrl.u32 v16, $0xB;
	v35 =	vld.idx.msk [tilespmem:v18+s13+$0x0], $0xffff  }
0x59: {  	v16 =	vadd.s32 s26, v0;
	v15 =	vshrl.u32 v15, $0xC;
	v17 =	vmul.f32 $5.000000000e-01, v17  }
0x5a: {  	v24 =	vmulhi.u32 $0xD1B71759, v16;
	v26 =	vshll.u32 v15, $0x1;
	v31 =	vmul.f32 $5.000000000e-01, v31  }
0x5b: {  	v15 =	vmulhi.u32 $0xD1B71759, v20;
	v20 =	vor.u32 s30, v6;
	v37 =	vsub.f32 v32, v17  }
0x5c: {  	v27 =	vor.u32 $0x1, v26;
	v61 =	vcvt.s32.f32 v19;
	v39 =	vsub.f32 v34, v31  }
0x5d: {  	v38 =	vadd.f32 v17, v32;
	v59 =	vcvt.s32.f32 v35;
	v60 =	vmax.f32 v37, $0.0e+00  }
0x5e: {  	v31 =	vadd.f32 v31, v34;
	v62 =	vmax.f32 v39, $0.0e+00;
	v19 =	vmin.f32 v60, $1.000000000e+00  }
0x5f: {  	v38 =	vmax.f32 v38, $0.0e+00;
	v63 =	vmul.f32 v59, v19;
	v19 =	vmin.f32 v62, $1.000000000e+00  }
0x60: {  	v16 =	vshrl.u32 v15, $0xB;
	v38 =	vmin.f32 v38, $1.000000000e+00;
	v35 =	vmul.f32 v61, v19  }
0x61: {  	s21 =	sadd.s32 $0x40, s26;
	s24 =	simm.s32 $0xC0;
	v15 =	vshrl.u32 v24, $0xB;
	v31 =	vmax.f32 v31, $0.0e+00;
	v34 =	vmul.f32 v59, v38;
	[tilespmem:v25+s14+$0x0] =	vst.idx.msk $0xffff, v63  }
0x62: {  	s16 =	sadd.s32 $0xFFFFFFD0, s21;
	v17 =	vor.u32 v9, v36;
	v32 =	vor.u32 s24, v9;
	v40 =	vmin.f32 v31, $1.000000000e+00;
	[tilespmem:v33+s14+$0x0] =	vst.idx.msk $0xffff, v35  }
0x63: {  	v31 =	vand.u32 $0x1FFFFE, v28;
	v28 =	vadd.s32 s16, v0;
	[tilespmem:v29+s14+$0x0] =	vst.idx.msk $0xffff, v34;
	v34 =	vor.u32 s24, v10  }
0x64: {  	v37 =	vmul.f32 v61, v40;
	v28 =	vmulhi.u32 $0xD1B71759, v28;
	v35 =	vor.u32 s24, v1  }
0x65: {  	s20 =	simm.s32 $0x180;
	s19 =	simm.s32 $0x1C0;
	v19 =	vor.u32 v10, v36;
	v25 =	vor.u32 v8, v36;
	v36 =	vor.u32 s24, v8  }
0x66: {  	s17 =	simm.s32 $0x280;
	s23 =	sadd.s32 $0xFFFFFFF0, s21;
	s25 =	sadd.s32 $0xFFFFFFE0, s21;
	v24 =	vor.u32 s30, v5;
	v18 =	vor.u32 s31, v1;
	v33 =	vor.u32 $0x1, v31;
	[tilespmem:v30+s14+$0x0] =	vst.idx.msk $0xffff, v37  }
0x67: {  	s22 =	simm.s32 $0x8;
	s18 =	simm.s32 $0x200;
	s16 =	simm.s32 $0x2C0;
	v29 =	vadd.s32 s21, v0;
	v30 =	vshrl.u32 v28, $0xC;
	v28 =	vadd.s32 s25, v0;
	v37 =	vld.idx.msk [tilespmem:v32+s3+$0x0], $0xffff  }
.LBB2_6:
0x68: {  	s22 =	sadd.s32 $0x4, s22;
	v30 =	vshll.u32 v30, $0x1;
	v38 =	vadd.s32 s23, v0;
	v39 =	vld.idx.msk [tilespmem:v34+s3+$0x0], $0xffff  }
0x69: {  	p1 =	slt.u32 s22, $0x98;
	v40 =	vor.u32 $0x1, v30;
	v38 =	vmulhi.u32 $0xD1B71759, v38;
	v41 =	vld.idx.msk [tilespmem:v35+s3+$0x0], $0xffff  }
0x6a: {  	v42 =	vor.u32 s18, v6;
	v43 =	vld.idx.msk [tilespmem:v36+s3+$0x0], $0xffff  }
0x6b: {  	v29 =	vmulhi.u32 $0xD1B71759, v29;
	v38 =	vshrl.u32 v38, $0xB;
	v33 =	vld.idx.msk [tilespmem:v33+s13+$0x0], $0xffff  }
0x6c: {  	v44 =	vor.u32 s18, v7;
	v31 =	vld.idx.msk [tilespmem:v31+s13+$0x0], $0xffff  }
0x6d: {  	v45 =	vor.u32 s18, v1;
	v46 =	vshrl.u32 v29, $0xB;
	v29 =	vmul.f32 $5.000000000e-01, v37  }
0x6e: {  	v37 =	vor.u32 s18, v5;
	v39 =	vmul.f32 $5.000000000e-01, v39  }
0x6f: {  	v47 =	vsub.f32 v41, v29;
	v29 =	vadd.f32 v29, v41  }
0x70: {  	v41 =	vsub.f32 v43, v39;
	v39 =	vadd.f32 v39, v43  }
0x71: {  	v33 =	vcvt.s32.f32 v33;
	v43 =	vmax.f32 v47, $0.0e+00;
	v29 =	vmax.f32 v29, $0.0e+00  }
0x72: {  	v31 =	vcvt.s32.f32 v31;
	v43 =	vmin.f32 v43, $1.000000000e+00;
	v41 =	vmax.f32 v41, $0.0e+00  }
0x73: {  	v39 =	vmax.f32 v39, $0.0e+00;
	v43 =	vmul.f32 v33, v43;
	v41 =	vmin.f32 v41, $1.000000000e+00  }
0x74: {  	v29 =	vmin.f32 v29, $1.000000000e+00;
	v41 =	vmul.f32 v31, v41  }
0x75: {  	v29 =	vmul.f32 v33, v29;
	v33 =	vmin.f32 v39, $1.000000000e+00;
	[tilespmem:v35+s14+$0x0] =	vst.idx.msk $0xffff, v43  }
0x76: {  	v31 =	vmul.f32 v31, v33;
	[tilespmem:v36+s14+$0x0] =	vst.idx.msk $0xffff, v41  }
0x77: {  	[tilespmem:v32+s14+$0x0] =	vst.idx.msk $0xffff, v29  }
0x78: {  	[tilespmem:v34+s14+$0x0] =	vst.idx.msk $0xffff, v31  }
0x79: {  	v31 =	vld.idx.msk [tilespmem:v23+s3+$0x0], $0xffff  }
0x7a: {  	s23 =	sadd.s32 $0x40, s18;
	v32 =	vld.idx.msk [tilespmem:v20+s3+$0x0], $0xffff  }
0x7b: {  	v33 =	vmov s23;
	v29 =	vand.u32 $0x1FFFFE, v16;
	v16 =	vmovc v38;
	v34 =	vor.u32 s23, v1;
	v35 =	vld.idx.msk [tilespmem:v22+s3+$0x0], $0xffff  }
0x7c: {  	v38 =	vor.u32 $0x1, v29;
	v36 =	vld.idx.msk [tilespmem:v26+s13+$0x0], $0xffff;
	v26 =	vmov v30  }
0x7d: {  	v30 =	vand.u32 $0x3F00, v33;
	v33 =	vld.idx.msk [tilespmem:v24+s3+$0x0], $0xffff  }
0x7e: {  	v39 =	vor.u32 v9, v30;
	v41 =	vld.idx.msk [tilespmem:v27+s13+$0x0], $0xffff;
	v27 =	vmov v40  }
0x7f: {  	v40 =	vor.u32 v10, v30  }
0x80: {  	v32 =	vmul.f32 $5.000000000e-01, v32  }
0x81: {  	v30 =	vor.u32 v8, v30;
	v35 =	vmul.f32 $5.000000000e-01, v35  }
0x82: {  	v43 =	vsub.f32 v31, v32;
	v31 =	vadd.f32 v32, v31  }
0x83: {  	v32 =	vcvt.s32.f32 v36;
	v36 =	vsub.f32 v33, v35;
	v33 =	vadd.f32 v35, v33  }
0x84: {  	v35 =	vcvt.s32.f32 v41;
	v41 =	vmax.f32 v43, $0.0e+00;
	v31 =	vmax.f32 v31, $0.0e+00  }
0x85: {  	v41 =	vmin.f32 v41, $1.000000000e+00;
	v36 =	vmax.f32 v36, $0.0e+00;
	v31 =	vmin.f32 v31, $1.000000000e+00  }
0x86: {  	v33 =	vmax.f32 v33, $0.0e+00;
	v41 =	vmul.f32 v35, v41;
	v36 =	vmin.f32 v36, $1.000000000e+00  }
0x87: {  	v43 =	vmulhi.u32 $0xD1B71759, v21;
	v21 =	vmovc v28;
	v33 =	vmin.f32 v33, $1.000000000e+00;
	v36 =	vmul.f32 v32, v36  }
0x88: {  	v28 =	vmul.f32 v35, v31;
	[tilespmem:v23+s14+$0x0] =	vst.idx.msk $0xffff, v41;
	v23 =	vmov v45  }
0x89: {  	v31 =	vmul.f32 v32, v33;
	v32 =	vshrl.u32 v43, $0xB;
	[tilespmem:v24+s14+$0x0] =	vst.idx.msk $0xffff, v36;
	v24 =	vmov v37  }
0x8a: {  	[tilespmem:v20+s14+$0x0] =	vst.idx.msk $0xffff, v28;
	v28 =	vand.u32 $0x1FFFFE, v32;
	v20 =	vmov v42  }
0x8b: {  	[tilespmem:v22+s14+$0x0] =	vst.idx.msk $0xffff, v31;
	v32 =	vor.u32 $0x1, v28;
	v22 =	vmov v44  }
0x8c: {  	v35 =	vld.idx.msk [tilespmem:v17+s3+$0x0], $0xffff  }
0x8d: {  	v31 =	vand.u32 $0x1FFFFE, v15;
	v15 =	vmov v46;
	v36 =	vld.idx.msk [tilespmem:v19+s3+$0x0], $0xffff  }
0x8e: {  	v33 =	vor.u32 $0x1, v31;
	v37 =	vld.idx.msk [tilespmem:v18+s3+$0x0], $0xffff  }
0x8f: {  	v41 =	vld.idx.msk [tilespmem:v25+s3+$0x0], $0xffff  }
0x90: {  	v32 =	vld.idx.msk [tilespmem:v32+s13+$0x0], $0xffff  }
0x91: {  	v28 =	vld.idx.msk [tilespmem:v28+s13+$0x0], $0xffff  }
0x92: {  	v35 =	vmul.f32 $5.000000000e-01, v35  }
0x93: {  	v36 =	vmul.f32 $5.000000000e-01, v36  }
0x94: {  	v42 =	vsub.f32 v37, v35;
	v35 =	vadd.f32 v35, v37  }
0x95: {  	v37 =	vsub.f32 v41, v36;
	v36 =	vadd.f32 v36, v41;
	v41 =	vor.u32 s20, v6  }
0x96: {  	v32 =	vcvt.s32.f32 v32;
	v42 =	vmax.f32 v42, $0.0e+00;
	v35 =	vmax.f32 v35, $0.0e+00  }
0x97: {  	v28 =	vcvt.s32.f32 v28;
	v42 =	vmin.f32 v42, $1.000000000e+00;
	v37 =	vmax.f32 v37, $0.0e+00  }
0x98: {  	v36 =	vmax.f32 v36, $0.0e+00;
	v42 =	vmul.f32 v32, v42;
	v37 =	vmin.f32 v37, $1.000000000e+00  }
0x99: {  	v35 =	vmin.f32 v35, $1.000000000e+00;
	v36 =	vmin.f32 v36, $1.000000000e+00;
	v37 =	vmul.f32 v28, v37  }
0x9a: {  	v32 =	vmul.f32 v32, v35;
	[tilespmem:v18+s14+$0x0] =	vst.idx.msk $0xffff, v42;
	v42 =	vor.u32 s20, v7;
	v18 =	vmov v34  }
0x9b: {  	v28 =	vmul.f32 v28, v36;
	v34 =	vor.u32 s20, v1;
	[tilespmem:v25+s14+$0x0] =	vst.idx.msk $0xffff, v37;
	v25 =	vmov v30  }
0x9c: {  	v30 =	vor.u32 s20, v5;
	s20 =	smov.u32 s17;
	[tilespmem:v17+s14+$0x0] =	vst.idx.msk $0xffff, v32;
	v17 =	vmov v39  }
0x9d: {  	[tilespmem:v19+s14+$0x0] =	vst.idx.msk $0xffff, v28;
	v19 =	vmov v40  }
0x9e: {  	v28 =	vld.idx.msk [tilespmem:v41+s3+$0x0], $0xffff  }
0x9f: {  	v32 =	vld.idx.msk [tilespmem:v42+s3+$0x0], $0xffff  }
0xa0: {  	v35 =	vld.idx.msk [tilespmem:v34+s3+$0x0], $0xffff  }
0xa1: {  	v36 =	vld.idx.msk [tilespmem:v30+s3+$0x0], $0xffff  }
0xa2: {  	v37 =	vld.idx.msk [tilespmem:v38+s13+$0x0], $0xffff  }
0xa3: {  	v29 =	vld.idx.msk [tilespmem:v29+s13+$0x0], $0xffff  }
0xa4: {  	v28 =	vmul.f32 $5.000000000e-01, v28  }
0xa5: {  	v32 =	vmul.f32 $5.000000000e-01, v32  }
0xa6: {  	v38 =	vsub.f32 v35, v28;
	v28 =	vadd.f32 v28, v35  }
0xa7: {  	v35 =	vsub.f32 v36, v32;
	v36 =	vadd.f32 v32, v36;
	v32 =	vor.u32 s19, v9  }
0xa8: {  	v37 =	vcvt.s32.f32 v37;
	v38 =	vmax.f32 v38, $0.0e+00;
	v28 =	vmax.f32 v28, $0.0e+00  }
0xa9: {  	v39 =	vcvt.s32.f32 v29;
	v29 =	vmin.f32 v38, $1.000000000e+00;
	v35 =	vmax.f32 v35, $0.0e+00  }
0xaa: {  	v38 =	vmul.f32 v37, v29;
	v29 =	vmin.f32 v35, $1.000000000e+00;
	v35 =	vmax.f32 v36, $0.0e+00  }
0xab: {  	s21 =	sadd.s32 $0x40, s21;
	v28 =	vmin.f32 v28, $1.000000000e+00;
	v36 =	vmul.f32 v39, v29;
	v35 =	vmin.f32 v35, $1.000000000e+00  }
.Ltmp2:
0xac: {  	s24 =	sadd.s32 $0xFFFFFFE0, s21;
	s17 =	sadd.s32 $0xFFFFFFD0, s21;
	v28 =	vmul.f32 v37, v28;
	v29 =	vadd.s32 s21, v0;
	[tilespmem:v34+s14+$0x0] =	vst.idx.msk $0xffff, v38;
	v34 =	vor.u32 s19, v10;
	(pc) =	sbr.rel @p1 .LBB2_6-.Ltmp2, $4  }
0xad: {  	s18 =	sadd.s32 $0x100, s18;
	s23 =	sadd.s32 $0xFFFFFFF0, s21;
	v37 =	vadd.s32 s17, v0;
	v38 =	vmul.f32 v39, v35;
	v35 =	vor.u32 s19, v1;
	[tilespmem:v30+s14+$0x0] =	vst.idx.msk $0xffff, v36  }
0xae: {  	s17 =	sadd.s32 $0x80, s18;
	v30 =	vmulhi.u32 $0xD1B71759, v37;
	v36 =	vor.u32 s19, v8;
	s19 =	smov.u32 s16;
	s16 =	sadd.s32 $0xC0, s18;
	[tilespmem:v41+s14+$0x0] =	vst.idx.msk $0xffff, v28  }
0xaf: {  	[tilespmem:v42+s14+$0x0] =	vst.idx.msk $0xffff, v38  }
0xb0: {  	v28 =	vadd.s32 s24, v0;
	v30 =	vshrl.u32 v30, $0xC;
	v37 =	vld.idx.msk [tilespmem:v32+s3+$0x0], $0xffff  }
0xb1: {  	_ =	sdelay $0x3  }
0xb2: {  	v38 =	vld.idx.msk [tilespmem:v34+s3+$0x0], $0xffff  }
0xb3: {  	v39 =	vld.idx.msk [tilespmem:v35+s3+$0x0], $0xffff  }
0xb4: {  	v40 =	vld.idx.msk [tilespmem:v36+s3+$0x0], $0xffff  }
0xb5: {  	v33 =	vld.idx.msk [tilespmem:v33+s13+$0x0], $0xffff  }
0xb6: {  	v31 =	vld.idx.msk [tilespmem:v31+s13+$0x0], $0xffff  }
0xb7: {  	v37 =	vmul.f32 $5.000000000e-01, v37  }
0xb8: {  	v38 =	vmul.f32 $5.000000000e-01, v38  }
0xb9: {  	v41 =	vsub.f32 v39, v37  }
0xba: {  	v33 =	vcvt.s32.f32 v33;
	v56 =	vsub.f32 v40, v38  }
0xbb: {  	v31 =	vcvt.s32.f32 v31;
	v37 =	vadd.f32 v37, v39;
	v57 =	vmax.f32 v41, $0.0e+00  }
0xbc: {  	v38 =	vadd.f32 v38, v40;
	v40 =	vmin.f32 v57, $1.000000000e+00;
	v39 =	vmax.f32 v56, $0.0e+00  }
0xbd: {  	v37 =	vmax.f32 v37, $0.0e+00;
	v40 =	vmul.f32 v33, v40;
	v39 =	vmin.f32 v39, $1.000000000e+00  }
0xbe: {  	v38 =	vmax.f32 v38, $0.0e+00;
	v37 =	vmin.f32 v37, $1.000000000e+00;
	v39 =	vmul.f32 v31, v39  }
0xbf: {  	v33 =	vmul.f32 v33, v37;
	v58 =	vmin.f32 v38, $1.000000000e+00;
	[tilespmem:v35+s14+$0x0] =	vst.idx.msk $0xffff, v40  }
0xc0: {  	v31 =	vmul.f32 v31, v58;
	[tilespmem:v36+s14+$0x0] =	vst.idx.msk $0xffff, v39  }
0xc1: {  	[tilespmem:v32+s14+$0x0] =	vst.idx.msk $0xffff, v33  }
0xc2: {  	[tilespmem:v34+s14+$0x0] =	vst.idx.msk $0xffff, v31  }
0xc3: {  	v31 =	vld.idx.msk [tilespmem:v23+s3+$0x0], $0xffff  }
0xc4: {  	v32 =	vld.idx.msk [tilespmem:v20+s3+$0x0], $0xffff  }
0xc5: {  	v33 =	vld.idx.msk [tilespmem:v22+s3+$0x0], $0xffff  }
0xc6: {  	v26 =	vld.idx.msk [tilespmem:v26+s13+$0x0], $0xffff  }
0xc7: {  	v34 =	vld.idx.msk [tilespmem:v24+s3+$0x0], $0xffff  }
0xc8: {  	v27 =	vld.idx.msk [tilespmem:v27+s13+$0x0], $0xffff  }
0xc9: {  	v32 =	vmul.f32 $5.000000000e-01, v32  }
0xca: {  	v33 =	vmul.f32 $5.000000000e-01, v33  }
0xcb: {  	v59 =	vsub.f32 v31, v32  }
0xcc: {  	v21 =	vmulhi.u32 $0xD1B71759, v21;
	v26 =	vcvt.s32.f32 v26;
	v60 =	vsub.f32 v34, v33  }
0xcd: {  	v27 =	vcvt.s32.f32 v27;
	v31 =	vadd.f32 v32, v31;
	v61 =	vmax.f32 v59, $0.0e+00  }
0xce: {  	v33 =	vadd.f32 v33, v34;
	v32 =	vmax.f32 v60, $0.0e+00;
	v34 =	vmin.f32 v61, $1.000000000e+00  }
0xcf: {  	v31 =	vmax.f32 v31, $0.0e+00;
	v32 =	vmin.f32 v32, $1.000000000e+00;
	v34 =	vmul.f32 v27, v34  }
0xd0: {  	v33 =	vmax.f32 v33, $0.0e+00;
	v31 =	vmin.f32 v31, $1.000000000e+00;
	v32 =	vmul.f32 v26, v32  }
0xd1: {  	v33 =	vmin.f32 v33, $1.000000000e+00;
	v27 =	vmul.f32 v27, v31;
	[tilespmem:v23+s14+$0x0] =	vst.idx.msk $0xffff, v34  }
0xd2: {  	v21 =	vshrl.u32 v21, $0xB;
	v62 =	vmul.f32 v26, v33;
	[tilespmem:v24+s14+$0x0] =	vst.idx.msk $0xffff, v32  }
0xd3: {  	v63 =	vand.u32 $0x1FFFFE, v21;
	[tilespmem:v20+s14+$0x0] =	vst.idx.msk $0xffff, v27  }
0xd4: {  	v21 =	vor.u32 $0x1, v63;
	[tilespmem:v22+s14+$0x0] =	vst.idx.msk $0xffff, v62  }
0xd5: {  	v22 =	vld.idx.msk [tilespmem:v17+s3+$0x0], $0xffff  }
0xd6: {  	v23 =	vld.idx.msk [tilespmem:v19+s3+$0x0], $0xffff  }
0xd7: {  	v24 =	vld.idx.msk [tilespmem:v18+s3+$0x0], $0xffff  }
0xd8: {  	v31 =	vld.idx.msk [tilespmem:v25+s3+$0x0], $0xffff  }
0xd9: {  	v21 =	vld.idx.msk [tilespmem:v21+s13+$0x0], $0xffff  }
0xda: {  	v20 =	vld.idx.msk [tilespmem:v63+s13+$0x0], $0xffff  }
0xdb: {  	v22 =	vmul.f32 $5.000000000e-01, v22  }
0xdc: {  	v23 =	vmul.f32 $5.000000000e-01, v23  }
0xdd: {  	v32 =	vsub.f32 v24, v22  }
0xde: {  	v34 =	vor.u32 s20, v6;
	v21 =	vcvt.s32.f32 v21;
	v33 =	vsub.f32 v31, v23  }
0xdf: {  	v20 =	vcvt.s32.f32 v20;
	v22 =	vadd.f32 v22, v24;
	v27 =	vmax.f32 v32, $0.0e+00  }
0xe0: {  	v23 =	vadd.f32 v23, v31;
	v24 =	vmax.f32 v33, $0.0e+00;
	v27 =	vmin.f32 v27, $1.000000000e+00  }
0xe1: {  	v22 =	vmax.f32 v22, $0.0e+00;
	v24 =	vmin.f32 v24, $1.000000000e+00;
	v27 =	vmul.f32 v21, v27  }
0xe2: {  	v23 =	vmax.f32 v23, $0.0e+00;
	v22 =	vmin.f32 v22, $1.000000000e+00;
	v24 =	vmul.f32 v20, v24  }
0xe3: {  	v35 =	vor.u32 s20, v7;
	v23 =	vmin.f32 v23, $1.000000000e+00;
	v21 =	vmul.f32 v21, v22;
	[tilespmem:v18+s14+$0x0] =	vst.idx.msk $0xffff, v27  }
0xe4: {  	v36 =	vor.u32 s20, v1;
	v20 =	vmul.f32 v20, v23;
	[tilespmem:v25+s14+$0x0] =	vst.idx.msk $0xffff, v24  }
0xe5: {  	v16 =	vand.u32 $0x1FFFFE, v16;
	v37 =	vor.u32 s20, v5;
	[tilespmem:v17+s14+$0x0] =	vst.idx.msk $0xffff, v21  }
0xe6: {  	v38 =	vor.u32 $0x1, v16;
	[tilespmem:v19+s14+$0x0] =	vst.idx.msk $0xffff, v20  }
0xe7: {  	v19 =	vld.idx.msk [tilespmem:v34+s3+$0x0], $0xffff  }
0xe8: {  	v20 =	vld.idx.msk [tilespmem:v35+s3+$0x0], $0xffff  }
0xe9: {  	v39 =	vld.idx.msk [tilespmem:v36+s3+$0x0], $0xffff  }
0xea: {  	v24 =	vld.idx.msk [tilespmem:v37+s3+$0x0], $0xffff  }
0xeb: {  	v21 =	vld.idx.msk [tilespmem:v38+s13+$0x0], $0xffff  }
0xec: {  	v16 =	vld.idx.msk [tilespmem:v16+s13+$0x0], $0xffff  }
0xed: {  	v19 =	vmul.f32 $5.000000000e-01, v19  }
0xee: {  	v20 =	vmul.f32 $5.000000000e-01, v20  }
0xef: {  	v40 =	vsub.f32 v39, v19  }
0xf0: {  	v42 =	vor.u32 s19, v9;
	v21 =	vcvt.s32.f32 v21;
	v41 =	vsub.f32 v24, v20  }
0xf1: {  	v16 =	vcvt.s32.f32 v16;
	v19 =	vadd.f32 v19, v39;
	v25 =	vmax.f32 v40, $0.0e+00  }
0xf2: {  	v20 =	vadd.f32 v20, v24;
	v23 =	vmax.f32 v41, $0.0e+00;
	v25 =	vmin.f32 v25, $1.000000000e+00  }
0xf3: {  	v19 =	vmax.f32 v19, $0.0e+00;
	v23 =	vmin.f32 v23, $1.000000000e+00;
	v25 =	vmul.f32 v21, v25  }
0xf4: {  	v20 =	vmax.f32 v20, $0.0e+00;
	v19 =	vmin.f32 v19, $1.000000000e+00;
	v23 =	vmul.f32 v16, v23  }
0xf5: {  	v43 =	vor.u32 s19, v10;
	v20 =	vmin.f32 v20, $1.000000000e+00;
	v19 =	vmul.f32 v21, v19;
	[tilespmem:v36+s14+$0x0] =	vst.idx.msk $0xffff, v25  }
0xf6: {  	v44 =	vor.u32 s19, v1;
	v16 =	vmul.f32 v16, v20;
	[tilespmem:v37+s14+$0x0] =	vst.idx.msk $0xffff, v23  }
0xf7: {  	v15 =	vand.u32 $0x1FFFFE, v15;
	v45 =	vor.u32 s19, v8;
	[tilespmem:v34+s14+$0x0] =	vst.idx.msk $0xffff, v19  }
0xf8: {  	v46 =	vor.u32 $0x1, v15;
	[tilespmem:v35+s14+$0x0] =	vst.idx.msk $0xffff, v16  }
0xf9: {  	v16 =	vld.idx.msk [tilespmem:v42+s3+$0x0], $0xffff  }
0xfa: {  	v18 =	vld.idx.msk [tilespmem:v43+s3+$0x0], $0xffff  }
0xfb: {  	v22 =	vld.idx.msk [tilespmem:v44+s3+$0x0], $0xffff  }
0xfc: {  	v23 =	vld.idx.msk [tilespmem:v45+s3+$0x0], $0xffff  }
0xfd: {  	v20 =	vld.idx.msk [tilespmem:v46+s13+$0x0], $0xffff  }
0xfe: {  	v15 =	vld.idx.msk [tilespmem:v15+s13+$0x0], $0xffff  }
0xff: {  	v16 =	vmul.f32 $5.000000000e-01, v16  }
0x100: {  	v18 =	vmul.f32 $5.000000000e-01, v18  }
0x101: {  	v47 =	vsub.f32 v22, v16  }
0x102: {  	v48 =	vor.u32 s18, v1;
	v20 =	vcvt.s32.f32 v20;
	v49 =	vsub.f32 v23, v18  }
0x103: {  	v15 =	vcvt.s32.f32 v15;
	v16 =	vadd.f32 v16, v22;
	v50 =	vmax.f32 v47, $0.0e+00  }
0x104: {  	v18 =	vadd.f32 v18, v23;
	v22 =	vmax.f32 v49, $0.0e+00;
	v23 =	vmin.f32 v50, $1.000000000e+00  }
0x105: {  	v16 =	vmax.f32 v16, $0.0e+00;
	v22 =	vmin.f32 v22, $1.000000000e+00;
	v23 =	vmul.f32 v20, v23  }
0x106: {  	v18 =	vmax.f32 v18, $0.0e+00;
	v16 =	vmin.f32 v16, $1.000000000e+00;
	v22 =	vmul.f32 v15, v22  }
0x107: {  	v51 =	vor.u32 s18, v6;
	v18 =	vmin.f32 v18, $1.000000000e+00;
	v16 =	vmul.f32 v20, v16;
	[tilespmem:v44+s14+$0x0] =	vst.idx.msk $0xffff, v23  }
0x108: {  	v52 =	vor.u32 s18, v7;
	v15 =	vmul.f32 v15, v18;
	[tilespmem:v45+s14+$0x0] =	vst.idx.msk $0xffff, v22  }
0x109: {  	v53 =	vshll.u32 v30, $0x1;
	[tilespmem:v42+s14+$0x0] =	vst.idx.msk $0xffff, v16  }
0x10a: {  	v54 =	vor.u32 s18, v5;
	[tilespmem:v43+s14+$0x0] =	vst.idx.msk $0xffff, v15  }
0x10b: {  	v15 =	vor.u32 $0x1, v53;
	v19 =	vld.idx.msk [tilespmem:v48+s3+$0x0], $0xffff  }
0x10c: {  	v55 =	vld.idx.msk [tilespmem:v51+s3+$0x0], $0xffff  }
0x10d: {  	v21 =	vld.idx.msk [tilespmem:v52+s3+$0x0], $0xffff  }
0x10e: {  	v18 =	vld.idx.msk [tilespmem:v53+s13+$0x0], $0xffff  }
0x10f: {  	v22 =	vld.idx.msk [tilespmem:v54+s3+$0x0], $0xffff  }
0x110: {  	v15 =	vld.idx.msk [tilespmem:v15+s13+$0x0], $0xffff  }
0x111: {  	s31 =	sadd.s32 $0x40, s18;
	v20 =	vmul.f32 $5.000000000e-01, v55  }
0x112: {  	v56 =	vmov s31;
	v21 =	vmul.f32 $5.000000000e-01, v21  }
0x113: {  	v61 =	vmulhi.u32 $0xD1B71759, v28;
	v23 =	vand.u32 $0x3F00, v56;
	v58 =	vsub.f32 v19, v20  }
0x114: {  	v57 =	vor.u32 v9, v23;
	v18 =	vcvt.s32.f32 v18;
	v59 =	vsub.f32 v22, v21  }
0x115: {  	v19 =	vadd.f32 v20, v19;
	v15 =	vcvt.s32.f32 v15;
	v60 =	vmax.f32 v58, $0.0e+00  }
0x116: {  	v21 =	vadd.f32 v21, v22;
	v20 =	vmax.f32 v59, $0.0e+00;
	v22 =	vmin.f32 v60, $1.000000000e+00  }
0x117: {  	v19 =	vmax.f32 v19, $0.0e+00;
	v20 =	vmin.f32 v20, $1.000000000e+00;
	v22 =	vmul.f32 v15, v22  }
0x118: {  	v21 =	vmax.f32 v21, $0.0e+00;
	v19 =	vmin.f32 v19, $1.000000000e+00;
	v20 =	vmul.f32 v18, v20  }
0x119: {  	v62 =	vor.u32 v10, v23;
	v21 =	vmin.f32 v21, $1.000000000e+00;
	v15 =	vmul.f32 v15, v19;
	[tilespmem:v48+s14+$0x0] =	vst.idx.msk $0xffff, v22  }
0x11a: {  	v30 =	vshrl.u32 v61, $0xB;
	v63 =	vor.u32 s31, v1;
	v18 =	vmul.f32 v18, v21;
	[tilespmem:v54+s14+$0x0] =	vst.idx.msk $0xffff, v20  }
0x11b: {  	v31 =	vor.u32 v8, v23;
	[tilespmem:v51+s14+$0x0] =	vst.idx.msk $0xffff, v15;
	v15 =	vand.u32 $0x1FFFFE, v30  }
0x11c: {  	[tilespmem:v52+s14+$0x0] =	vst.idx.msk $0xffff, v18;
	v16 =	vor.u32 $0x1, v15  }
0x11d: {  	v17 =	vld.idx.msk [tilespmem:v57+s3+$0x0], $0xffff  }
0x11e: {  	v18 =	vld.idx.msk [tilespmem:v62+s3+$0x0], $0xffff  }
0x11f: {  	v32 =	vld.idx.msk [tilespmem:v63+s3+$0x0], $0xffff  }
0x120: {  	v22 =	vld.idx.msk [tilespmem:v31+s3+$0x0], $0xffff  }
0x121: {  	v16 =	vld.idx.msk [tilespmem:v16+s13+$0x0], $0xffff  }
0x122: {  	v15 =	vld.idx.msk [tilespmem:v15+s13+$0x0], $0xffff;
	v17 =	vmul.f32 $5.000000000e-01, v17  }
0x123: {  	v18 =	vmul.f32 $5.000000000e-01, v18  }
0x124: {  	v33 =	vadd.s32 s23, v0;
	v37 =	vor.u32 s17, v6;
	v34 =	vsub.f32 v32, v17  }
0x125: {  	v35 =	vmulhi.u32 $0xD1B71759, v33;
	v17 =	vadd.f32 v17, v32;
	v36 =	vsub.f32 v22, v18  }
0x126: {  	v18 =	vadd.f32 v18, v22;
	v16 =	vcvt.s32.f32 v16;
	v25 =	vmax.f32 v34, $0.0e+00  }
0x127: {  	v15 =	vcvt.s32.f32 v15;
	v23 =	vmax.f32 v36, $0.0e+00;
	v25 =	vmin.f32 v25, $1.000000000e+00  }
0x128: {  	v17 =	vmax.f32 v17, $0.0e+00;
	v23 =	vmin.f32 v23, $1.000000000e+00;
	v25 =	vmul.f32 v16, v25  }
0x129: {  	v18 =	vmax.f32 v18, $0.0e+00;
	v17 =	vmin.f32 v17, $1.000000000e+00;
	v23 =	vmul.f32 v15, v23  }
0x12a: {  	v38 =	vor.u32 s17, v7;
	v18 =	vmin.f32 v18, $1.000000000e+00;
	v16 =	vmul.f32 v16, v17;
	[tilespmem:v63+s14+$0x0] =	vst.idx.msk $0xffff, v25  }
0x12b: {  	v40 =	vor.u32 s17, v1;
	v39 =	vshrl.u32 v35, $0xB;
	v15 =	vmul.f32 v15, v18;
	[tilespmem:v31+s14+$0x0] =	vst.idx.msk $0xffff, v23  }
0x12c: {  	v41 =	vor.u32 s17, v5;
	v19 =	vand.u32 $0x1FFFFE, v39;
	[tilespmem:v57+s14+$0x0] =	vst.idx.msk $0xffff, v16  }
0x12d: {  	v42 =	vor.u32 $0x1, v19;
	[tilespmem:v62+s14+$0x0] =	vst.idx.msk $0xffff, v15  }
0x12e: {  	v15 =	vld.idx.msk [tilespmem:v37+s3+$0x0], $0xffff  }
0x12f: {  	v43 =	vld.idx.msk [tilespmem:v38+s3+$0x0], $0xffff  }
0x130: {  	v23 =	vld.idx.msk [tilespmem:v40+s3+$0x0], $0xffff  }
0x131: {  	v24 =	vld.idx.msk [tilespmem:v41+s3+$0x0], $0xffff  }
0x132: {  	v20 =	vld.idx.msk [tilespmem:v42+s13+$0x0], $0xffff  }
0x133: {  	v19 =	vld.idx.msk [tilespmem:v19+s13+$0x0], $0xffff  }
0x134: {  	v15 =	vmul.f32 $5.000000000e-01, v15  }
0x135: {  	v45 =	vmulhi.u32 $0xD1B71759, v29;
	v21 =	vmul.f32 $5.000000000e-01, v43  }
0x136: {  	v47 =	vor.u32 s16, v9;
	v44 =	vsub.f32 v23, v15  }
0x137: {  	v49 =	vshrl.u32 v45, $0xB;
	v20 =	vcvt.s32.f32 v20;
	v46 =	vsub.f32 v24, v21  }
0x138: {  	v19 =	vcvt.s32.f32 v19;
	v15 =	vadd.f32 v15, v23;
	v25 =	vmax.f32 v44, $0.0e+00  }
0x139: {  	v21 =	vadd.f32 v21, v24;
	v26 =	vmax.f32 v46, $0.0e+00;
	v25 =	vmin.f32 v25, $1.000000000e+00  }
0x13a: {  	v15 =	vmax.f32 v15, $0.0e+00;
	v26 =	vmin.f32 v26, $1.000000000e+00;
	v25 =	vmul.f32 v20, v25  }
0x13b: {  	v21 =	vmax.f32 v21, $0.0e+00;
	v15 =	vmin.f32 v15, $1.000000000e+00;
	v26 =	vmul.f32 v19, v26  }
0x13c: {  	v48 =	vor.u32 s16, v10;
	v21 =	vmin.f32 v21, $1.000000000e+00;
	v15 =	vmul.f32 v20, v15;
	[tilespmem:v40+s14+$0x0] =	vst.idx.msk $0xffff, v25  }
0x13d: {  	v50 =	vor.u32 s16, v1;
	v19 =	vmul.f32 v19, v21;
	v20 =	vand.u32 $0x1FFFFE, v49;
	[tilespmem:v41+s14+$0x0] =	vst.idx.msk $0xffff, v26  }
0x13e: {  	v51 =	vor.u32 $0x1, v20;
	[tilespmem:v37+s14+$0x0] =	vst.idx.msk $0xffff, v15  }
0x13f: {  	v15 =	vor.u32 s16, v8;
	[tilespmem:v38+s14+$0x0] =	vst.idx.msk $0xffff, v19  }
0x140: {  	v17 =	vld.idx.msk [tilespmem:v47+s3+$0x0], $0xffff  }
0x141: {  	v19 =	vld.idx.msk [tilespmem:v48+s3+$0x0], $0xffff  }
0x142: {  	v22 =	vld.idx.msk [tilespmem:v50+s3+$0x0], $0xffff  }
0x143: {  	v21 =	vld.idx.msk [tilespmem:v51+s13+$0x0], $0xffff  }
0x144: {  	v52 =	vld.idx.msk [tilespmem:v15+s3+$0x0], $0xffff  }
0x145: {  	v20 =	vld.idx.msk [tilespmem:v20+s13+$0x0], $0xffff  }
0x146: {  	v17 =	vmul.f32 $5.000000000e-01, v17  }
0x147: {  	v19 =	vmul.f32 $5.000000000e-01, v19  }
0x148: {  	v53 =	vsub.f32 v22, v17  }
0x149: {  	v21 =	vcvt.s32.f32 v21;
	v54 =	vsub.f32 v52, v19  }
0x14a: {  	v20 =	vcvt.s32.f32 v20;
	v17 =	vadd.f32 v17, v22;
	v55 =	vmax.f32 v53, $0.0e+00  }
0x14b: {  	v19 =	vadd.f32 v19, v52;
	v23 =	vmin.f32 v55, $1.000000000e+00;
	v22 =	vmax.f32 v54, $0.0e+00  }
0x14c: {  	v17 =	vmax.f32 v17, $0.0e+00;
	v23 =	vmul.f32 v21, v23;
	v22 =	vmin.f32 v22, $1.000000000e+00  }
0x14d: {  	v19 =	vmax.f32 v19, $0.0e+00;
	v17 =	vmin.f32 v17, $1.000000000e+00;
	v22 =	vmul.f32 v20, v22  }
0x14e: {  	v17 =	vmul.f32 v21, v17;
	v19 =	vmin.f32 v19, $1.000000000e+00;
	[tilespmem:v50+s14+$0x0] =	vst.idx.msk $0xffff, v23  }
0x14f: {  	v56 =	vmul.f32 v20, v19;
	[tilespmem:v15+s14+$0x0] =	vst.idx.msk $0xffff, v22  }
0x150: {  	[tilespmem:v47+s14+$0x0] =	vst.idx.msk $0xffff, v17  }
0x151: {  	[tilespmem:v48+s14+$0x0] =	vst.idx.msk $0xffff, v56  }
0x152: {  	v15 =	vld.idx.msk [tilespmem:v2+s13+$0x0], $0xffff  }
0x153: {  	v16 =	vld.idx.msk [tilespmem:v13+s3+$0x0], $0xffff  }
0x154: {  	v17 =	vld.idx.msk [tilespmem:v14+s3+$0x0], $0xffff  }
0x155: {  	v18 =	vld.idx.msk [tilespmem:v11+s3+$0x0], $0xffff  }
0x156: {  	v57 =	vld.idx.msk [tilespmem:v12+s3+$0x0], $0xffff  }
0x157: {  	v58 =	vld.idx.msk [tilespmem:v3+s13+$0x0], $0xffff  }
0x158: {  	v16 =	vmul.f32 $5.000000000e-01, v16  }
0x159: {  	v17 =	vmul.f32 $5.000000000e-01, v17  }
0x15a: {  	v59 =	vsub.f32 v18, v16  }
0x15b: {  	v15 =	vcvt.s32.f32 v15;
	v60 =	vsub.f32 v57, v17  }
0x15c: {  	v20 =	vcvt.s32.f32 v58;
	v16 =	vadd.f32 v16, v18;
	v21 =	vmax.f32 v59, $0.0e+00  }
0x15d: {  	v17 =	vadd.f32 v17, v57;
	v62 =	vmax.f32 v60, $0.0e+00;
	v61 =	vmin.f32 v21, $1.000000000e+00  }
0x15e: {  	v16 =	vmax.f32 v16, $0.0e+00;
	v63 =	vmin.f32 v62, $1.000000000e+00;
	v18 =	vmul.f32 v20, v61  }
0x15f: {  	v17 =	vmax.f32 v17, $0.0e+00;
	v16 =	vmin.f32 v16, $1.000000000e+00;
	v19 =	vmul.f32 v15, v63  }
0x160: {  	v17 =	vmin.f32 v17, $1.000000000e+00;
	v16 =	vmul.f32 v20, v16;
	[tilespmem:v11+s14+$0x0] =	vst.idx.msk $0xffff, v18  }
0x161: {  	s15 =	sadd.s32 $0x1, s15;
	v15 =	vmul.f32 v15, v17;
	[tilespmem:v12+s14+$0x0] =	vst.idx.msk $0xffff, v19  }
0x162: {  	p1 =	sne.s32 s15, s8;
	[tilespmem:v13+s14+$0x0] =	vst.idx.msk $0xffff, v16  }
.Ltmp3:
0x163: {  	[tilespmem:v14+s14+$0x0] =	vst.idx.msk $0xffff, v15;
	(pc) =	sbr.rel @p1 .LBB2_1-.Ltmp3, $4  }
0x164: {  	[hbm4b:s7+s3] =	stream.linear.scatter [tilespmem:s14], [sflag:$0x1], $0x2710, $0x38;
	[tilespmem:$0x5100] =	vst v63  }
0x165: {  	_ =	swait.ge [sflag:s12], $0x2710  }
0x166: {  	[sflag:s12] =	ssyncset.done $0x0  }
0x167: {  	[sflag:s12] =	ssyncadd.s32 $0xFFFFD8F0  }
0x168: {  	_ =	sfence.sel $0x180000  }
0x169: {  	[bflag:$0x0] =	sbarrier.arrive $0xFFFF  }
0x16a: {  	p0 =	sne.s32 s0, $0x0;
	_ =	strace $0x90000047  }
0x16b: {  	s0 =	sadd.s32 @!p0 $0x100000, s1;
	[bflag:$0x2] =	sbarrier.arrive $0xFFFF  }
0x16c: {  	[sflag:s0] =	ssyncadd.tile.s32 @!p0 $0x1;
	_ =	shalt  }
.Lfunc_end2:
_tile_overlayer_lowered:
.L_overlay_start_2:
0x16d: {  	(tag) =	ssettag $0x2  }
0x16e: {  	s0 =	rddreg [dreg:$0x0];
	s2 =	stileid.u32  }
0x16f: {  	s1 =	rddreg [dreg:$0x1];
	p0 =	sne.s32 s2, $0x0  }
0x170: {  	s3 =	rddreg [dreg:$0x2];
	[bflag:$0x3] =	sbarrier.arrive $0xFFFF;
	s2 =	simm.s32 @!p0 $0x1C01  }
0x171: {  	[timem:s3], [sflag:s2] =	dma.local @!p0 [hbm:s0], s1  }
0x172: {  	s0 =	simm.s32 @!p0 $0x1  }
0x173: {  	_ =	swait.ge @!p0 [sflag:s0], s1  }
0x174: {  	s1 =	ssub.s32 @!p0 $0x0, s1;
	[sflag:s0] =	ssyncset.done @!p0 $0x0  }
0x175: {  	[sflag:s0] =	ssyncadd.s32 @!p0 s1  }
0x176: {  	[bflag:$0x3] =	sbarrier.arrive $0xFFFF  }
0x177: {  	_ =	shalt  }

</sc_bundles>
